<compile_context>
chip_gen: v7x
topology: tpu7x:2x2x1
jax: 0.10.2.dev20260603
libtpu: 0.0.44.dev20260713+nightly
codegen_flags: <defaults>
</compile_context>

<pallas_src>
import functools

import numpy as np
import jax
import jax.numpy as jnp
from jax import lax
from jax.experimental import pallas as pl
from jax.experimental.pallas import tpu as pltpu
from jax.experimental.pallas import tpu_sc as plsc

V = 1000000
D = 64
B = 4096
L = 200
MAXLEN = 512
EPS = 1e-5

N = B * L

NC, NS = 2, 16
NW = NC * NS
CH = 128
PER_W = N // NW
IDX_ROWS = PER_W // CH
IDX_BLK = 20
N_OUTER = IDX_ROWS // IDX_BLK


def _sinusoidal_pe(max_len, d):
    pos = np.arange(max_len, dtype=np.float32)[:, None]
    div = np.exp(np.arange(0, d, 2, dtype=np.float32) * (-np.log(10000.0) / d))
    pe = np.zeros((max_len, d), dtype=np.float32)
    pe[:, 0::2] = np.sin(pos * div)
    pe[:, 1::2] = np.cos(pos * div)
    return pe


HALF = B // 2
G = L
_TWO_PE = (2.0 * _sinusoidal_pe(MAXLEN, D)[:L]).reshape(L, 1, D)



NBUF = 4


def _sc_gather_body(idx_hbm, table_hbm, out_hbm, idx_v, rows2,
                    sg0, sg1, sg2, sg3, sw0, sw1, sw2, sw3):
    wid = lax.axis_index("s") * NC + lax.axis_index("c")
    row0 = wid * IDX_ROWS
    sg = (sg0, sg1, sg2, sg3)
    sw = (sw0, sw1, sw2, sw3)

    def outer(j, carry):
        pltpu.sync_copy(idx_hbm.at[pl.ds(row0 + j * IDX_BLK, IDX_BLK)], idx_v)
        hg = [None] * NBUF
        hw = [None] * NBUF

        def write(bb):
            off = (row0 + j * IDX_BLK + bb) * CH
            q = bb % NBUF
            hg[q].wait()
            hw[q] = pltpu.async_copy(
                rows2.at[q], out_hbm.at[pl.ds(off, CH)], sw[q])

        for bb in range(IDX_BLK):
            p = bb % NBUF
            if hw[p] is not None:
                hw[p].wait()
            hg[p] = pltpu.async_copy(
                table_hbm.at[idx_v.at[bb]], rows2.at[p], sg[p])
            if bb >= NBUF - 1:
                write(bb - (NBUF - 1))
        for bb in range(IDX_BLK - (NBUF - 1), IDX_BLK):
            write(bb)
        for q in range(NBUF):
            hw[q].wait()
        return carry

    lax.fori_loop(0, N_OUTER, outer, 0)


@functools.cache
def _sc_gather_kernel():
    return functools.partial(
        pl.kernel,
        mesh=plsc.VectorSubcoreMesh(core_axis_name="c", subcore_axis_name="s"),
        out_type=jax.ShapeDtypeStruct((N, D), jnp.float32),
        scratch_types=[
            pltpu.VMEM((IDX_BLK, CH), jnp.int32),
            pltpu.VMEM((NBUF, CH, D), jnp.float32),
        ] + [pltpu.SemaphoreType.DMA] * (2 * NBUF),
        compiler_params=pltpu.CompilerParams(use_tc_tiling_on_sc=False),
    )(_sc_gather_body)



_MAXN = 1.0 - 1e-5
_AMAX = float(np.arctanh(1.0 - 1e-5))


def _ct(a, b_, dims):
    return lax.dot_general(a, b_, (dims, ((), ())),
                           preferred_element_type=jnp.float32)


def _tc_body(emb_ref, tp_ref, wbd_ref, b_ref, g_ref, be_ref, out_ref):
    m2 = emb_ref[...]
    tp = tp_ref[0]
    z = jnp.zeros((1, D), jnp.float32)
    on = jnp.ones((1, D), jnp.float32)
    tp2 = jnp.concatenate(
        [jnp.concatenate([tp, z], axis=1),
         jnp.concatenate([z, tp], axis=1)], axis=0)
    sel = jnp.concatenate(
        [jnp.concatenate([on, z], axis=1),
         jnp.concatenate([z, on], axis=1)], axis=0)
    pe2 = 0.25 * jnp.sum(tp * tp, axis=-1, keepdims=True)
    n2p = _ct(sel, m2 * m2, ((1,), (1,))) + _ct(tp2, m2, ((1,), (1,)))
    wbd = wbd_ref[...]
    w = wbd[:D, :D]
    wpeT = _ct(w, 0.5 * tp, ((1,), (1,)))
    ewt2 = _ct(wbd, m2, ((1,), (1,)))
    bc = b_ref[...]
    bn = jnp.sqrt(jnp.clip(jnp.sum(bc * bc, axis=0, keepdims=True), 1e-15))
    bhT = jnp.minimum(jnp.tanh(bn), _MAXN) * bc / bn
    y2 = jnp.sum(bhT * bhT, axis=0, keepdims=True)
    gc = g_ref[...]
    bec = be_ref[...]
    outs = []
    for h in range(2):
        ewT = ewt2[h * D:(h + 1) * D, :] + wpeT
        n2 = n2p[h:h + 1, :] + pe2
        nw2 = jnp.sum(ewT * ewT, axis=0, keepdims=True)
        n = jnp.sqrt(jnp.clip(n2, 1e-15))
        nw = jnp.sqrt(jnp.clip(nw2, 1e-15))
        s2 = jnp.minimum(jnp.tanh(nw / n * jnp.minimum(n, _AMAX)), _MAXN)
        xy = s2 * _ct(bhT, ewT, ((0,), (0,))) / nw
        x2 = s2 * s2
        hT = ((1.0 + 2.0 * xy + y2) * (s2 / nw)) * ewT + (1.0 - x2) * bhT
        mu = jnp.mean(hT, axis=0, keepdims=True)
        hc = hT - mu
        var = jnp.mean(hc * hc, axis=0, keepdims=True)
        outs.append(hc / jnp.sqrt(var + EPS) * gc + bec)
    out_ref[...] = jnp.concatenate(outs, axis=1).reshape(1, D, B)


def _tc_compute(emb2, two_pe, wbd, b_c, g_c, be_c):
    return pl.pallas_call(
        _tc_body,
        grid=(G,),
        in_specs=[
            pl.BlockSpec((HALF, 2 * D), lambda i: (i, 0)),
            pl.BlockSpec((1, 1, D), lambda i: (i, 0, 0)),
            pl.BlockSpec((2 * D, 2 * D), lambda i: (0, 0)),
            pl.BlockSpec((D, 1), lambda i: (0, 0)),
            pl.BlockSpec((D, 1), lambda i: (0, 0)),
            pl.BlockSpec((D, 1), lambda i: (0, 0)),
        ],
        out_specs=pl.BlockSpec((1, D, B), lambda i: (i, 0, 0)),
        out_shape=jax.ShapeDtypeStruct((L, D, B), jnp.float32),
        compiler_params=pltpu.CompilerParams(
            dimension_semantics=("arbitrary",),
        ),
    )(emb2, two_pe, wbd, b_c, g_c, be_c)


def kernel(x, table, W, b, gamma, beta):
    xperm = x.T.reshape(L, 2, HALF).transpose(0, 2, 1)
    xf = xperm.reshape(N // CH, CH).astype(jnp.int32)
    emb = _sc_gather_kernel()(xf, table)
    zw = jnp.zeros((D, D), jnp.float32)
    wbd = jnp.concatenate(
        [jnp.concatenate([W, zw], axis=1),
         jnp.concatenate([zw, W], axis=1)], axis=0)
    out_t = _tc_compute(
        emb.reshape(N // 2, 2 * D),
        _TWO_PE,
        wbd,
        b.reshape(D, 1),
        gamma.reshape(D, 1),
        beta.reshape(D, 1),
    )
    return jnp.transpose(out_t, (2, 0, 1))

# --- scband reference (transcript-rebuilt; emitter-appended) ---
"""Pipeline reference for scband-hyperbolic-embedding-37211596653301 (READ-ONLY COPY).

The authoritative reference and input builder live on the scoring server;
editing this copy changes nothing except your own understanding.
"""

import jax, jax.numpy as jnp
import numpy as np

V = 1000000
D = 64
B = 4096
L = 200
MAXLEN = 512
C = 1.0
PAD = 0
EPS = 1e-5


def _sinusoidal_pe(max_len, d):
    pos = np.arange(max_len, dtype=np.float32)[:, None]
    div = np.exp(np.arange(0, d, 2, dtype=np.float32) * (-np.log(10000.0) / d))
    pe = np.zeros((max_len, d), dtype=np.float32)
    pe[:, 0::2] = np.sin(pos * div)
    pe[:, 1::2] = np.cos(pos * div)
    return jnp.asarray(pe)

PE = _sinusoidal_pe(MAXLEN, D)


def setup_inputs(seed: int = 0) -> dict:
    key = jax.random.key(seed)
    k1, k2, k3 = jax.random.split(key, 3)
    x = jax.random.randint(k1, (B, L), 0, V)
    table = jax.random.normal(k2, (V, D), dtype=jnp.float32) * 0.02
    table = table.at[PAD].set(0.0)
    W = jax.random.normal(k3, (D, D), dtype=jnp.float32) * (1.0 / np.sqrt(D))
    b = jnp.zeros((D,), dtype=jnp.float32)
    gamma = jnp.ones((D,), dtype=jnp.float32)
    beta = jnp.zeros((D,), dtype=jnp.float32)
    return {"x": x, "table": table, "W": W, "b": b, "gamma": gamma, "beta": beta}


def _norm(v):
    return jnp.sqrt(jnp.clip(jnp.sum(v * v, axis=-1, keepdims=True), 1e-15))


def _artanh(z):
    return jnp.arctanh(jnp.clip(z, -1.0 + 1e-7, 1.0 - 1e-7))


def _expmap0(u, c):
    sc = jnp.sqrt(c)
    n = _norm(u)
    return jnp.tanh(sc * n) * u / (sc * n)


def _logmap0(y, c):
    sc = jnp.sqrt(c)
    n = _norm(y)
    return _artanh(sc * n) * y / (sc * n)


def _proj(y, c):
    sc = jnp.sqrt(c)
    n = _norm(y)
    maxn = (1.0 - 1e-5) / sc
    return jnp.where(n > maxn, y / n * maxn, y)


def _mobius_matvec(M, xh, c):
    sc = jnp.sqrt(c)
    xn = _norm(xh)
    mx = xh @ M.T
    mxn = _norm(mx)
    return jnp.tanh(mxn / xn * _artanh(sc * xn)) * mx / (mxn * sc)


def _mobius_add(xh, yh, c):
    xy = jnp.sum(xh * yh, axis=-1, keepdims=True)
    x2 = jnp.sum(xh * xh, axis=-1, keepdims=True)
    y2 = jnp.sum(yh * yh, axis=-1, keepdims=True)
    num = (1.0 + 2.0 * c * xy + c * y2) * xh + (1.0 - c * x2) * yh
    den = 1.0 + 2.0 * c * xy + (c ** 2) * x2 * y2
    return num / jnp.clip(den, 1e-15)


def reference(x, table, W, b, gamma, beta):
    # token embedding (padding_idx row is zero)
    table = table.at[PAD].set(0.0)
    emb = jnp.take(table, x, axis=0)  # [B, L, D]
    # sinusoidal positional embedding (dropout = identity in eval)
    emb = emb + PE[:L][None, :, :]
    # Poincare ball layer: expmap0 -> mobius matvec -> mobius bias add -> logmap0
    h = _proj(_expmap0(emb, C), C)
    h = _proj(_mobius_matvec(W, h, C), C)
    bh = _proj(_expmap0(b[None, None, :], C), C)
    h = _proj(_mobius_add(h, bh, C), C)
    h = _logmap0(h, C)
    # LayerNorm
    mu = jnp.mean(h, axis=-1, keepdims=True)
    var = jnp.mean((h - mu) ** 2, axis=-1, keepdims=True)
    out = (h - mu) / jnp.sqrt(var + EPS) * gamma + beta
    # dropout = identity in eval
    return out

if __name__ == "__main__":
    import jax
    _d = setup_inputs()
    print(jax.jit(kernel)(*tuple(_d.values())))

</pallas_src>

<mosaic_0001>
#map = affine_map<(d0, d1) -> (0, 0)>
module attributes {stable_mosaic.version = 14 : i64} {
  func.func @_sc_gather_body(%arg0: i32, %arg1: i32, %arg2: memref<6400x128xi32, #tpu.memory_space<hbm>>, %arg3: memref<1000000x64xf32, #tpu.memory_space<hbm>>, %arg4: memref<819200x64xf32, #tpu.memory_space<hbm>>, %arg5: memref<20x128xi32, #tpu.memory_space<vmem>>, %arg6: memref<4x128x64xf32, #tpu.memory_space<vmem>>, %arg7: memref<!tpu.dma_semaphore, #tpu.memory_space<semaphore_mem>>, %arg8: memref<!tpu.dma_semaphore, #tpu.memory_space<semaphore_mem>>, %arg9: memref<!tpu.dma_semaphore, #tpu.memory_space<semaphore_mem>>, %arg10: memref<!tpu.dma_semaphore, #tpu.memory_space<semaphore_mem>>, %arg11: memref<!tpu.dma_semaphore, #tpu.memory_space<semaphore_mem>>, %arg12: memref<!tpu.dma_semaphore, #tpu.memory_space<semaphore_mem>>, %arg13: memref<!tpu.dma_semaphore, #tpu.memory_space<semaphore_mem>>, %arg14: memref<!tpu.dma_semaphore, #tpu.memory_space<semaphore_mem>>) attributes {dimension_semantics = [#tpu.dimension_semantics<core_parallel>, #tpu.dimension_semantics<subcore_parallel>], iteration_bounds = array<i64: 2, 16>, scalar_prefetch = 0 : i64, scratch_operands = 10 : i64, tpu.core_type = #tpu.core_type<sc_vector_subcore>, window_params = [{transform_indices = #map}, {transform_indices = #map}, {transform_indices = #map}]} {
    %mul3A = arith.constant 2 : i32
    %mul3A_0 = arith.muli %arg1, %mul3A : i32
    %add3A = arith.addi %mul3A_0, %arg0 : i32
    %mul3A_1 = arith.constant 200 : i32
    %mul3A_2 = arith.muli %add3A, %mul3A_1 : i32
    %scan3A = arith.constant 0 : i32
    %scan3A_3 = arith.constant 0 : i32
    %scan3A_4 = arith.constant 10 : i32
    %scan3A_5 = arith.addi %scan3A_3, %scan3A_4 : i32
    %scan3A_6 = arith.constant 1 : i32
    scf.for %scan3A_8 = %scan3A_3 to %scan3A_5 step %scan3A_6  : i32 {
      %mul3A_9 = arith.constant 20 : i32
      %mul3A_10 = arith.muli %scan3A_8, %mul3A_9 : i32
      %add3A_11 = arith.addi %mul3A_2, %mul3A_10 : i32
      "tpu.region"() ({
        %run_scoped3A = tpu.sem_alloc : memref<!tpu.dma_semaphore, #tpu.memory_space<semaphore_mem>>
        %dma_start3A_1150 = arith.constant 0 : i32
        %dma_start3A_1151 = tpu.memref_slice %arg2[%add3A_11, %dma_start3A_1150] : memref<6400x128xi32, #tpu.memory_space<hbm>> -> memref<20x128xi32, #tpu.memory_space<hbm>>
        %dma_start3A_1152 = arith.constant 0 : i32
        %dma_start3A_1153 = tpu.memref_slice %arg2[%add3A_11, %dma_start3A_1152] : memref<6400x128xi32, #tpu.memory_space<hbm>> -> memref<20x128xi32, #tpu.memory_space<hbm>>
        tpu.enqueue_dma source(%dma_start3A_1153 : memref<20x128xi32, #tpu.memory_space<hbm>>) target(%arg5 : memref<20x128xi32, #tpu.memory_space<vmem>>) target_semaphore(%run_scoped3A : memref<!tpu.dma_semaphore, #tpu.memory_space<semaphore_mem>>)
        %dma_wait3A_1154 = arith.constant 0 : i32
        %dma_wait3A_1155 = tpu.memref_slice %arg2[%add3A_11, %dma_wait3A_1154] : memref<6400x128xi32, #tpu.memory_space<hbm>> -> memref<20x128xi32, #tpu.memory_space<hbm>>
        %dma_wait3A_1156 = arith.constant 0 : i32
        %dma_wait3A_1157 = tpu.memref_slice %arg2[%add3A_11, %dma_wait3A_1156] : memref<6400x128xi32, #tpu.memory_space<hbm>> -> memref<20x128xi32, #tpu.memory_space<hbm>>
        tpu.wait_dma2 semaphore(%run_scoped3A : memref<!tpu.dma_semaphore, #tpu.memory_space<semaphore_mem>>) src(%dma_wait3A_1157 : memref<20x128xi32, #tpu.memory_space<hbm>>) dst(%arg5 : memref<20x128xi32, #tpu.memory_space<vmem>>)
        tpu.yield
      }) : () -> ()
      %dma_start3A = arith.constant 0 : i32
      %dma_start3A_12 = arith.constant 0 : i32
      %dma_start3A_13 = arith.constant 0 : i32
      %dma_start3A_14 = arith.constant 0 : i32
      %dma_start3A_15 = tpu.memref_slice %arg6[%dma_start3A_12, %dma_start3A_13, %dma_start3A_14] : memref<4x128x64xf32, #tpu.memory_space<vmem>> -> memref<1x128x64xf32, #tpu.memory_space<vmem>>
      %dma_start3A_16 = tpu.memref_squeeze %dma_start3A_15 : memref<1x128x64xf32, #tpu.memory_space<vmem>> -> memref<128x64xf32, #tpu.memory_space<vmem>>
      %dma_start3A_17 = arith.constant 0 : i32
      %dma_start3A_18 = tpu.memref_slice %arg5[%dma_start3A, %dma_start3A_17] : memref<20x128xi32, #tpu.memory_space<vmem>> -> memref<1x128xi32, #tpu.memory_space<vmem>>
      %dma_start3A_19 = tpu.memref_squeeze %dma_start3A_18 : memref<1x128xi32, #tpu.memory_space<vmem>> -> memref<128xi32, #tpu.memory_space<vmem>>
      %dma_start3A_20 = arith.constant 0 : i32
      %dma_start3A_21 = arith.constant 0 : i32
      %dma_start3A_22 = tpu.memref_slice %arg3[%dma_start3A_20, %dma_start3A_21] : memref<1000000x64xf32, #tpu.memory_space<hbm>> -> memref<1000000x64xf32, #tpu.memory_space<hbm>>
      tpu.enqueue_indirect_dma source(%dma_start3A_22 : memref<1000000x64xf32, #tpu.memory_space<hbm>>) target(%dma_start3A_16 : memref<128x64xf32, #tpu.memory_space<vmem>>) offsets(%dma_start3A_19 : memref<128xi32, #tpu.memory_space<vmem>>) semaphore(%arg7 : memref<!tpu.dma_semaphore, #tpu.memory_space<semaphore_mem>>)
      %dma_start3A_23 = arith.constant 1 : i32
      %dma_start3A_24 = arith.constant 1 : i32
      %dma_start3A_25 = arith.constant 0 : i32
      %dma_start3A_26 = arith.constant 0 : i32
      %dma_start3A_27 = tpu.memref_slice %arg6[%dma_start3A_24, %dma_start3A_25, %dma_start3A_26] : memref<4x128x64xf32, #tpu.memory_space<vmem>> -> memref<1x128x64xf32, #tpu.memory_space<vmem>>
      %dma_start3A_28 = tpu.memref_squeeze %dma_start3A_27 : memref<1x128x64xf32, #tpu.memory_space<vmem>> -> memref<128x64xf32, #tpu.memory_space<vmem>>
      %dma_start3A_29 = arith.constant 0 : i32
      %dma_start3A_30 = tpu.memref_slice %arg5[%dma_start3A_23, %dma_start3A_29] : memref<20x128xi32, #tpu.memory_space<vmem>> -> memref<1x128xi32, #tpu.memory_space<vmem>>
      %dma_start3A_31 = tpu.memref_squeeze %dma_start3A_30 : memref<1x128xi32, #tpu.memory_space<vmem>> -> memref<128xi32, #tpu.memory_space<vmem>>
      %dma_start3A_32 = arith.constant 0 : i32
      %dma_start3A_33 = arith.constant 0 : i32
      %dma_start3A_34 = tpu.memref_slice %arg3[%dma_start3A_32, %dma_start3A_33] : memref<1000000x64xf32, #tpu.memory_space<hbm>> -> memref<1000000x64xf32, #tpu.memory_space<hbm>>
      tpu.enqueue_indirect_dma source(%dma_start3A_34 : memref<1000000x64xf32, #tpu.memory_space<hbm>>) target(%dma_start3A_28 : memref<128x64xf32, #tpu.memory_space<vmem>>) offsets(%dma_start3A_31 : memref<128xi32, #tpu.memory_space<vmem>>) semaphore(%arg8 : memref<!tpu.dma_semaphore, #tpu.memory_space<semaphore_mem>>)
      %dma_start3A_35 = arith.constant 2 : i32
      %dma_start3A_36 = arith.constant 2 : i32
      %dma_start3A_37 = arith.constant 0 : i32
      %dma_start3A_38 = arith.constant 0 : i32
      %dma_start3A_39 = tpu.memref_slice %arg6[%dma_start3A_36, %dma_start3A_37, %dma_start3A_38] : memref<4x128x64xf32, #tpu.memory_space<vmem>> -> memref<1x128x64xf32, #tpu.memory_space<vmem>>
      %dma_start3A_40 = tpu.memref_squeeze %dma_start3A_39 : memref<1x128x64xf32, #tpu.memory_space<vmem>> -> memref<128x64xf32, #tpu.memory_space<vmem>>
      %dma_start3A_41 = arith.constant 0 : i32
      %dma_start3A_42 = tpu.memref_slice %arg5[%dma_start3A_35, %dma_start3A_41] : memref<20x128xi32, #tpu.memory_space<vmem>> -> memref<1x128xi32, #tpu.memory_space<vmem>>
      %dma_start3A_43 = tpu.memref_squeeze %dma_start3A_42 : memref<1x128xi32, #tpu.memory_space<vmem>> -> memref<128xi32, #tpu.memory_space<vmem>>
      %dma_start3A_44 = arith.constant 0 : i32
      %dma_start3A_45 = arith.constant 0 : i32
      %dma_start3A_46 = tpu.memref_slice %arg3[%dma_start3A_44, %dma_start3A_45] : memref<1000000x64xf32, #tpu.memory_space<hbm>> -> memref<1000000x64xf32, #tpu.memory_space<hbm>>
      tpu.enqueue_indirect_dma source(%dma_start3A_46 : memref<1000000x64xf32, #tpu.memory_space<hbm>>) target(%dma_start3A_40 : memref<128x64xf32, #tpu.memory_space<vmem>>) offsets(%dma_start3A_43 : memref<128xi32, #tpu.memory_space<vmem>>) semaphore(%arg9 : memref<!tpu.dma_semaphore, #tpu.memory_space<semaphore_mem>>)
      %dma_start3A_47 = arith.constant 3 : i32
      %dma_start3A_48 = arith.constant 3 : i32
      %dma_start3A_49 = arith.constant 0 : i32
      %dma_start3A_50 = arith.constant 0 : i32
      %dma_start3A_51 = tpu.memref_slice %arg6[%dma_start3A_48, %dma_start3A_49, %dma_start3A_50] : memref<4x128x64xf32, #tpu.memory_space<vmem>> -> memref<1x128x64xf32, #tpu.memory_space<vmem>>
      %dma_start3A_52 = tpu.memref_squeeze %dma_start3A_51 : memref<1x128x64xf32, #tpu.memory_space<vmem>> -> memref<128x64xf32, #tpu.memory_space<vmem>>
      %dma_start3A_53 = arith.constant 0 : i32
      %dma_start3A_54 = tpu.memref_slice %arg5[%dma_start3A_47, %dma_start3A_53] : memref<20x128xi32, #tpu.memory_space<vmem>> -> memref<1x128xi32, #tpu.memory_space<vmem>>
      %dma_start3A_55 = tpu.memref_squeeze %dma_start3A_54 : memref<1x128xi32, #tpu.memory_space<vmem>> -> memref<128xi32, #tpu.memory_space<vmem>>
      %dma_start3A_56 = arith.constant 0 : i32
      %dma_start3A_57 = arith.constant 0 : i32
      %dma_start3A_58 = tpu.memref_slice %arg3[%dma_start3A_56, %dma_start3A_57] : memref<1000000x64xf32, #tpu.memory_space<hbm>> -> memref<1000000x64xf32, #tpu.memory_space<hbm>>
      tpu.enqueue_indirect_dma source(%dma_start3A_58 : memref<1000000x64xf32, #tpu.memory_space<hbm>>) target(%dma_start3A_52 : memref<128x64xf32, #tpu.memory_space<vmem>>) offsets(%dma_start3A_55 : memref<128xi32, #tpu.memory_space<vmem>>) semaphore(%arg10 : memref<!tpu.dma_semaphore, #tpu.memory_space<semaphore_mem>>)
      %mul3A_59 = arith.constant 20 : i32
      %mul3A_60 = arith.muli %scan3A_8, %mul3A_59 : i32
      %add3A_61 = arith.addi %mul3A_2, %mul3A_60 : i32
      %add3A_62 = arith.constant 0 : i32
      %add3A_63 = arith.addi %add3A_61, %add3A_62 : i32
      %mul3A_64 = arith.constant 128 : i32
      %mul3A_65 = arith.muli %add3A_63, %mul3A_64 : i32
      %dma_wait3A = arith.constant 0 : i32
      %dma_wait3A_66 = arith.constant 0 : i32
      %dma_wait3A_67 = arith.constant 0 : i32
      %dma_wait3A_68 = arith.constant 0 : i32
      %dma_wait3A_69 = tpu.memref_slice %arg6[%dma_wait3A_66, %dma_wait3A_67, %dma_wait3A_68] : memref<4x128x64xf32, #tpu.memory_space<vmem>> -> memref<1x128x64xf32, #tpu.memory_space<vmem>>
      %dma_wait3A_70 = tpu.memref_squeeze %dma_wait3A_69 : memref<1x128x64xf32, #tpu.memory_space<vmem>> -> memref<128x64xf32, #tpu.memory_space<vmem>>
      %dma_wait3A_71 = arith.constant 0 : i32
      %dma_wait3A_72 = tpu.memref_slice %arg5[%dma_wait3A, %dma_wait3A_71] : memref<20x128xi32, #tpu.memory_space<vmem>> -> memref<1x128xi32, #tpu.memory_space<vmem>>
      %dma_wait3A_73 = tpu.memref_squeeze %dma_wait3A_72 : memref<1x128xi32, #tpu.memory_space<vmem>> -> memref<128xi32, #tpu.memory_space<vmem>>
      %dma_wait3A_74 = arith.constant 0 : i32
      %dma_wait3A_75 = arith.constant 0 : i32
      %dma_wait3A_76 = tpu.memref_slice %arg3[%dma_wait3A_74, %dma_wait3A_75] : memref<1000000x64xf32, #tpu.memory_space<hbm>> -> memref<1000000x64xf32, #tpu.memory_space<hbm>>
      tpu.wait_indirect_dma semaphore(%arg7 : memref<!tpu.dma_semaphore, #tpu.memory_space<semaphore_mem>>) src(%dma_wait3A_76 : memref<1000000x64xf32, #tpu.memory_space<hbm>>) dst(%dma_wait3A_70 : memref<128x64xf32, #tpu.memory_space<vmem>>)
      %dma_start3A_77 = arith.constant 0 : i32
      %dma_start3A_78 = arith.constant 0 : i32
      %dma_start3A_79 = arith.constant 0 : i32
      %dma_start3A_80 = tpu.memref_slice %arg6[%dma_start3A_77, %dma_start3A_78, %dma_start3A_79] : memref<4x128x64xf32, #tpu.memory_space<vmem>> -> memref<1x128x64xf32, #tpu.memory_space<vmem>>
      %dma_start3A_81 = tpu.memref_squeeze %dma_start3A_80 : memref<1x128x64xf32, #tpu.memory_space<vmem>> -> memref<128x64xf32, #tpu.memory_space<vmem>>
      %dma_start3A_82 = arith.constant 0 : i32
      %dma_start3A_83 = tpu.memref_slice %arg4[%mul3A_65, %dma_start3A_82] : memref<819200x64xf32, #tpu.memory_space<hbm>> -> memref<128x64xf32, #tpu.memory_space<hbm>>
      %dma_start3A_84 = arith.constant 0 : i32
      %dma_start3A_85 = tpu.memref_slice %arg4[%mul3A_65, %dma_start3A_84] : memref<819200x64xf32, #tpu.memory_space<hbm>> -> memref<128x64xf32, #tpu.memory_space<hbm>>
      %dma_start3A_86 = arith.constant 0 : i32
      %dma_start3A_87 = arith.constant 0 : i32
      %dma_start3A_88 = tpu.memref_slice %arg6[%dma_start3A_77, %dma_start3A_86, %dma_start3A_87] : memref<4x128x64xf32, #tpu.memory_space<vmem>> -> memref<1x128x64xf32, #tpu.memory_space<vmem>>
      %dma_start3A_89 = tpu.memref_squeeze %dma_start3A_88 : memref<1x128x64xf32, #tpu.memory_space<vmem>> -> memref<128x64xf32, #tpu.memory_space<vmem>>
      tpu.enqueue_dma source(%dma_start3A_89 : memref<128x64xf32, #tpu.memory_space<vmem>>) target(%dma_start3A_85 : memref<128x64xf32, #tpu.memory_space<hbm>>) target_semaphore(%arg11 : memref<!tpu.dma_semaphore, #tpu.memory_space<semaphore_mem>>)
      %dma_wait3A_90 = arith.constant 0 : i32
      %dma_wait3A_91 = arith.constant 0 : i32
      %dma_wait3A_92 = arith.constant 0 : i32
      %dma_wait3A_93 = tpu.memref_slice %arg6[%dma_wait3A_90, %dma_wait3A_91, %dma_wait3A_92] : memref<4x128x64xf32, #tpu.memory_space<vmem>> -> memref<1x128x64xf32, #tpu.memory_space<vmem>>
      %dma_wait3A_94 = tpu.memref_squeeze %dma_wait3A_93 : memref<1x128x64xf32, #tpu.memory_space<vmem>> -> memref<128x64xf32, #tpu.memory_space<vmem>>
      %dma_wait3A_95 = arith.constant 0 : i32
      %dma_wait3A_96 = tpu.memref_slice %arg4[%mul3A_65, %dma_wait3A_95] : memref<819200x64xf32, #tpu.memory_space<hbm>> -> memref<128x64xf32, #tpu.memory_space<hbm>>
      %dma_wait3A_97 = arith.constant 0 : i32
      %dma_wait3A_98 = tpu.memref_slice %arg4[%mul3A_65, %dma_wait3A_97] : memref<819200x64xf32, #tpu.memory_space<hbm>> -> memref<128x64xf32, #tpu.memory_space<hbm>>
      %dma_wait3A_99 = arith.constant 0 : i32
      %dma_wait3A_100 = arith.constant 0 : i32
      %dma_wait3A_101 = tpu.memref_slice %arg6[%dma_wait3A_90, %dma_wait3A_99, %dma_wait3A_100] : memref<4x128x64xf32, #tpu.memory_space<vmem>> -> memref<1x128x64xf32, #tpu.memory_space<vmem>>
      %dma_wait3A_102 = tpu.memref_squeeze %dma_wait3A_101 : memref<1x128x64xf32, #tpu.memory_space<vmem>> -> memref<128x64xf32, #tpu.memory_space<vmem>>
      tpu.wait_dma2 semaphore(%arg11 : memref<!tpu.dma_semaphore, #tpu.memory_space<semaphore_mem>>) src(%dma_wait3A_102 : memref<128x64xf32, #tpu.memory_space<vmem>>) dst(%dma_wait3A_98 : memref<128x64xf32, #tpu.memory_space<hbm>>)
      %dma_start3A_103 = arith.constant 4 : i32
      %dma_start3A_104 = arith.constant 0 : i32
      %dma_start3A_105 = arith.constant 0 : i32
      %dma_start3A_106 = arith.constant 0 : i32
      %dma_start3A_107 = tpu.memref_slice %arg6[%dma_start3A_104, %dma_start3A_105, %dma_start3A_106] : memref<4x128x64xf32, #tpu.memory_space<vmem>> -> memref<1x128x64xf32, #tpu.memory_space<vmem>>
      %dma_start3A_108 = tpu.memref_squeeze %dma_start3A_107 : memref<1x128x64xf32, #tpu.memory_space<vmem>> -> memref<128x64xf32, #tpu.memory_space<vmem>>
      %dma_start3A_109 = arith.constant 0 : i32
      %dma_start3A_110 = tpu.memref_slice %arg5[%dma_start3A_103, %dma_start3A_109] : memref<20x128xi32, #tpu.memory_space<vmem>> -> memref<1x128xi32, #tpu.memory_space<vmem>>
      %dma_start3A_111 = tpu.memref_squeeze %dma_start3A_110 : memref<1x128xi32, #tpu.memory_space<vmem>> -> memref<128xi32, #tpu.memory_space<vmem>>
      %dma_start3A_112 = arith.constant 0 : i32
      %dma_start3A_113 = arith.constant 0 : i32
      %dma_start3A_114 = tpu.memref_slice %arg3[%dma_start3A_112, %dma_start3A_113] : memref<1000000x64xf32, #tpu.memory_space<hbm>> -> memref<1000000x64xf32, #tpu.memory_space<hbm>>
      tpu.enqueue_indirect_dma source(%dma_start3A_114 : memref<1000000x64xf32, #tpu.memory_space<hbm>>) target(%dma_start3A_108 : memref<128x64xf32, #tpu.memory_space<vmem>>) offsets(%dma_start3A_111 : memref<128xi32, #tpu.memory_space<vmem>>) semaphore(%arg7 : memref<!tpu.dma_semaphore, #tpu.memory_space<semaphore_mem>>)
      %mul3A_115 = arith.constant 20 : i32
      %mul3A_116 = arith.muli %scan3A_8, %mul3A_115 : i32
      %add3A_117 = arith.addi %mul3A_2, %mul3A_116 : i32
      %add3A_118 = arith.constant 1 : i32
      %add3A_119 = arith.addi %add3A_117, %add3A_118 : i32
      %mul3A_120 = arith.constant 128 : i32
      %mul3A_121 = arith.muli %add3A_119, %mul3A_120 : i32
      %dma_wait3A_122 = arith.constant 1 : i32
      %dma_wait3A_123 = arith.constant 1 : i32
      %dma_wait3A_124 = arith.constant 0 : i32
      %dma_wait3A_125 = arith.constant 0 : i32
      %dma_wait3A_126 = tpu.memref_slice %arg6[%dma_wait3A_123, %dma_wait3A_124, %dma_wait3A_125] : memref<4x128x64xf32, #tpu.memory_space<vmem>> -> memref<1x128x64xf32, #tpu.memory_space<vmem>>
      %dma_wait3A_127 = tpu.memref_squeeze %dma_wait3A_126 : memref<1x128x64xf32, #tpu.memory_space<vmem>> -> memref<128x64xf32, #tpu.memory_space<vmem>>
      %dma_wait3A_128 = arith.constant 0 : i32
      %dma_wait3A_129 = tpu.memref_slice %arg5[%dma_wait3A_122, %dma_wait3A_128] : memref<20x128xi32, #tpu.memory_space<vmem>> -> memref<1x128xi32, #tpu.memory_space<vmem>>
      %dma_wait3A_130 = tpu.memref_squeeze %dma_wait3A_129 : memref<1x128xi32, #tpu.memory_space<vmem>> -> memref<128xi32, #tpu.memory_space<vmem>>
      %dma_wait3A_131 = arith.constant 0 : i32
      %dma_wait3A_132 = arith.constant 0 : i32
      %dma_wait3A_133 = tpu.memref_slice %arg3[%dma_wait3A_131, %dma_wait3A_132] : memref<1000000x64xf32, #tpu.memory_space<hbm>> -> memref<1000000x64xf32, #tpu.memory_space<hbm>>
      tpu.wait_indirect_dma semaphore(%arg8 : memref<!tpu.dma_semaphore, #tpu.memory_space<semaphore_mem>>) src(%dma_wait3A_133 : memref<1000000x64xf32, #tpu.memory_space<hbm>>) dst(%dma_wait3A_127 : memref<128x64xf32, #tpu.memory_space<vmem>>)
      %dma_start3A_134 = arith.constant 1 : i32
      %dma_start3A_135 = arith.constant 0 : i32
      %dma_start3A_136 = arith.constant 0 : i32
      %dma_start3A_137 = tpu.memref_slice %arg6[%dma_start3A_134, %dma_start3A_135, %dma_start3A_136] : memref<4x128x64xf32, #tpu.memory_space<vmem>> -> memref<1x128x64xf32, #tpu.memory_space<vmem>>
      %dma_start3A_138 = tpu.memref_squeeze %dma_start3A_137 : memref<1x128x64xf32, #tpu.memory_space<vmem>> -> memref<128x64xf32, #tpu.memory_space<vmem>>
      %dma_start3A_139 = arith.constant 0 : i32
      %dma_start3A_140 = tpu.memref_slice %arg4[%mul3A_121, %dma_start3A_139] : memref<819200x64xf32, #tpu.memory_space<hbm>> -> memref<128x64xf32, #tpu.memory_space<hbm>>
      %dma_start3A_141 = arith.constant 0 : i32
      %dma_start3A_142 = tpu.memref_slice %arg4[%mul3A_121, %dma_start3A_141] : memref<819200x64xf32, #tpu.memory_space<hbm>> -> memref<128x64xf32, #tpu.memory_space<hbm>>
      %dma_start3A_143 = arith.constant 0 : i32
      %dma_start3A_144 = arith.constant 0 : i32
      %dma_start3A_145 = tpu.memref_slice %arg6[%dma_start3A_134, %dma_start3A_143, %dma_start3A_144] : memref<4x128x64xf32, #tpu.memory_space<vmem>> -> memref<1x128x64xf32, #tpu.memory_space<vmem>>
      %dma_start3A_146 = tpu.memref_squeeze %dma_start3A_145 : memref<1x128x64xf32, #tpu.memory_space<vmem>> -> memref<128x64xf32, #tpu.memory_space<vmem>>
      tpu.enqueue_dma source(%dma_start3A_146 : memref<128x64xf32, #tpu.memory_space<vmem>>) target(%dma_start3A_142 : memref<128x64xf32, #tpu.memory_space<hbm>>) target_semaphore(%arg12 : memref<!tpu.dma_semaphore, #tpu.memory_space<semaphore_mem>>)
      %dma_wait3A_147 = arith.constant 1 : i32
      %dma_wait3A_148 = arith.constant 0 : i32
      %dma_wait3A_149 = arith.constant 0 : i32
      %dma_wait3A_150 = tpu.memref_slice %arg6[%dma_wait3A_147, %dma_wait3A_148, %dma_wait3A_149] : memref<4x128x64xf32, #tpu.memory_space<vmem>> -> memref<1x128x64xf32, #tpu.memory_space<vmem>>
      %dma_wait3A_151 = tpu.memref_squeeze %dma_wait3A_150 : memref<1x128x64xf32, #tpu.memory_space<vmem>> -> memref<128x64xf32, #tpu.memory_space<vmem>>
      %dma_wait3A_152 = arith.constant 0 : i32
      %dma_wait3A_153 = tpu.memref_slice %arg4[%mul3A_121, %dma_wait3A_152] : memref<819200x64xf32, #tpu.memory_space<hbm>> -> memref<128x64xf32, #tpu.memory_space<hbm>>
      %dma_wait3A_154 = arith.constant 0 : i32
      %dma_wait3A_155 = tpu.memref_slice %arg4[%mul3A_121, %dma_wait3A_154] : memref<819200x64xf32, #tpu.memory_space<hbm>> -> memref<128x64xf32, #tpu.memory_space<hbm>>
      %dma_wait3A_156 = arith.constant 0 : i32
      %dma_wait3A_157 = arith.constant 0 : i32
      %dma_wait3A_158 = tpu.memref_slice %arg6[%dma_wait3A_147, %dma_wait3A_156, %dma_wait3A_157] : memref<4x128x64xf32, #tpu.memory_space<vmem>> -> memref<1x128x64xf32, #tpu.memory_space<vmem>>
      %dma_wait3A_159 = tpu.memref_squeeze %dma_wait3A_158 : memref<1x128x64xf32, #tpu.memory_space<vmem>> -> memref<128x64xf32, #tpu.memory_space<vmem>>
      tpu.wait_dma2 semaphore(%arg12 : memref<!tpu.dma_semaphore, #tpu.memory_space<semaphore_mem>>) src(%dma_wait3A_159 : memref<128x64xf32, #tpu.memory_space<vmem>>) dst(%dma_wait3A_155 : memref<128x64xf32, #tpu.memory_space<hbm>>)
      %dma_start3A_160 = arith.constant 5 : i32
      %dma_start3A_161 = arith.constant 1 : i32
      %dma_start3A_162 = arith.constant 0 : i32
      %dma_start3A_163 = arith.constant 0 : i32
      %dma_start3A_164 = tpu.memref_slice %arg6[%dma_start3A_161, %dma_start3A_162, %dma_start3A_163] : memref<4x128x64xf32, #tpu.memory_space<vmem>> -> memref<1x128x64xf32, #tpu.memory_space<vmem>>
      %dma_start3A_165 = tpu.memref_squeeze %dma_start3A_164 : memref<1x128x64xf32, #tpu.memory_space<vmem>> -> memref<128x64xf32, #tpu.memory_space<vmem>>
      %dma_start3A_166 = arith.constant 0 : i32
      %dma_start3A_167 = tpu.memref_slice %arg5[%dma_start3A_160, %dma_start3A_166] : memref<20x128xi32, #tpu.memory_space<vmem>> -> memref<1x128xi32, #tpu.memory_space<vmem>>
      %dma_start3A_168 = tpu.memref_squeeze %dma_start3A_167 : memref<1x128xi32, #tpu.memory_space<vmem>> -> memref<128xi32, #tpu.memory_space<vmem>>
      %dma_start3A_169 = arith.constant 0 : i32
      %dma_start3A_170 = arith.constant 0 : i32
      %dma_start3A_171 = tpu.memref_slice %arg3[%dma_start3A_169, %dma_start3A_170] : memref<1000000x64xf32, #tpu.memory_space<hbm>> -> memref<1000000x64xf32, #tpu.memory_space<hbm>>
      tpu.enqueue_indirect_dma source(%dma_start3A_171 : memref<1000000x64xf32, #tpu.memory_space<hbm>>) target(%dma_start3A_165 : memref<128x64xf32, #tpu.memory_space<vmem>>) offsets(%dma_start3A_168 : memref<128xi32, #tpu.memory_space<vmem>>) semaphore(%arg8 : memref<!tpu.dma_semaphore, #tpu.memory_space<semaphore_mem>>)
      %mul3A_172 = arith.constant 20 : i32
      %mul3A_173 = arith.muli %scan3A_8, %mul3A_172 : i32
      %add3A_174 = arith.addi %mul3A_2, %mul3A_173 : i32
      %add3A_175 = arith.constant 2 : i32
      %add3A_176 = arith.addi %add3A_174, %add3A_175 : i32
      %mul3A_177 = arith.constant 128 : i32
      %mul3A_178 = arith.muli %add3A_176, %mul3A_177 : i32
      %dma_wait3A_179 = arith.constant 2 : i32
      %dma_wait3A_180 = arith.constant 2 : i32
      %dma_wait3A_181 = arith.constant 0 : i32
      %dma_wait3A_182 = arith.constant 0 : i32
      %dma_wait3A_183 = tpu.memref_slice %arg6[%dma_wait3A_180, %dma_wait3A_181, %dma_wait3A_182] : memref<4x128x64xf32, #tpu.memory_space<vmem>> -> memref<1x128x64xf32, #tpu.memory_space<vmem>>
      %dma_wait3A_184 = tpu.memref_squeeze %dma_wait3A_183 : memref<1x128x64xf32, #tpu.memory_space<vmem>> -> memref<128x64xf32, #tpu.memory_space<vmem>>
      %dma_wait3A_185 = arith.constant 0 : i32
      %dma_wait3A_186 = tpu.memref_slice %arg5[%dma_wait3A_179, %dma_wait3A_185] : memref<20x128xi32, #tpu.memory_space<vmem>> -> memref<1x128xi32, #tpu.memory_space<vmem>>
      %dma_wait3A_187 = tpu.memref_squeeze %dma_wait3A_186 : memref<1x128xi32, #tpu.memory_space<vmem>> -> memref<128xi32, #tpu.memory_space<vmem>>
      %dma_wait3A_188 = arith.constant 0 : i32
      %dma_wait3A_189 = arith.constant 0 : i32
      %dma_wait3A_190 = tpu.memref_slice %arg3[%dma_wait3A_188, %dma_wait3A_189] : memref<1000000x64xf32, #tpu.memory_space<hbm>> -> memref<1000000x64xf32, #tpu.memory_space<hbm>>
      tpu.wait_indirect_dma semaphore(%arg9 : memref<!tpu.dma_semaphore, #tpu.memory_space<semaphore_mem>>) src(%dma_wait3A_190 : memref<1000000x64xf32, #tpu.memory_space<hbm>>) dst(%dma_wait3A_184 : memref<128x64xf32, #tpu.memory_space<vmem>>)
      %dma_start3A_191 = arith.constant 2 : i32
      %dma_start3A_192 = arith.constant 0 : i32
      %dma_start3A_193 = arith.constant 0 : i32
      %dma_start3A_194 = tpu.memref_slice %arg6[%dma_start3A_191, %dma_start3A_192, %dma_start3A_193] : memref<4x128x64xf32, #tpu.memory_space<vmem>> -> memref<1x128x64xf32, #tpu.memory_space<vmem>>
      %dma_start3A_195 = tpu.memref_squeeze %dma_start3A_194 : memref<1x128x64xf32, #tpu.memory_space<vmem>> -> memref<128x64xf32, #tpu.memory_space<vmem>>
      %dma_start3A_196 = arith.constant 0 : i32
      %dma_start3A_197 = tpu.memref_slice %arg4[%mul3A_178, %dma_start3A_196] : memref<819200x64xf32, #tpu.memory_space<hbm>> -> memref<128x64xf32, #tpu.memory_space<hbm>>
      %dma_start3A_198 = arith.constant 0 : i32
      %dma_start3A_199 = tpu.memref_slice %arg4[%mul3A_178, %dma_start3A_198] : memref<819200x64xf32, #tpu.memory_space<hbm>> -> memref<128x64xf32, #tpu.memory_space<hbm>>
      %dma_start3A_200 = arith.constant 0 : i32
      %dma_start3A_201 = arith.constant 0 : i32
      %dma_start3A_202 = tpu.memref_slice %arg6[%dma_start3A_191, %dma_start3A_200, %dma_start3A_201] : memref<4x128x64xf32, #tpu.memory_space<vmem>> -> memref<1x128x64xf32, #tpu.memory_space<vmem>>
      %dma_start3A_203 = tpu.memref_squeeze %dma_start3A_202 : memref<1x128x64xf32, #tpu.memory_space<vmem>> -> memref<128x64xf32, #tpu.memory_space<vmem>>
      tpu.enqueue_dma source(%dma_start3A_203 : memref<128x64xf32, #tpu.memory_space<vmem>>) target(%dma_start3A_199 : memref<128x64xf32, #tpu.memory_space<hbm>>) target_semaphore(%arg13 : memref<!tpu.dma_semaphore, #tpu.memory_space<semaphore_mem>>)
      %dma_wait3A_204 = arith.constant 2 : i32
      %dma_wait3A_205 = arith.constant 0 : i32
      %dma_wait3A_206 = arith.constant 0 : i32
      %dma_wait3A_207 = tpu.memref_slice %arg6[%dma_wait3A_204, %dma_wait3A_205, %dma_wait3A_206] : memref<4x128x64xf32, #tpu.memory_space<vmem>> -> memref<1x128x64xf32, #tpu.memory_space<vmem>>
      %dma_wait3A_208 = tpu.memref_squeeze %dma_wait3A_207 : memref<1x128x64xf32, #tpu.memory_space<vmem>> -> memref<128x64xf32, #tpu.memory_space<vmem>>
      %dma_wait3A_209 = arith.constant 0 : i32
      %dma_wait3A_210 = tpu.memref_slice %arg4[%mul3A_178, %dma_wait3A_209] : memref<819200x64xf32, #tpu.memory_space<hbm>> -> memref<128x64xf32, #tpu.memory_space<hbm>>
      %dma_wait3A_211 = arith.constant 0 : i32
      %dma_wait3A_212 = tpu.memref_slice %arg4[%mul3A_178, %dma_wait3A_211] : memref<819200x64xf32, #tpu.memory_space<hbm>> -> memref<128x64xf32, #tpu.memory_space<hbm>>
      %dma_wait3A_213 = arith.constant 0 : i32
      %dma_wait3A_214 = arith.constant 0 : i32
      %dma_wait3A_215 = tpu.memref_slice %arg6[%dma_wait3A_204, %dma_wait3A_213, %dma_wait3A_214] : memref<4x128x64xf32, #tpu.memory_space<vmem>> -> memref<1x128x64xf32, #tpu.memory_space<vmem>>
      %dma_wait3A_216 = tpu.memref_squeeze %dma_wait3A_215 : memref<1x128x64xf32, #tpu.memory_space<vmem>> -> memref<128x64xf32, #tpu.memory_space<vmem>>
      tpu.wait_dma2 semaphore(%arg13 : memref<!tpu.dma_semaphore, #tpu.memory_space<semaphore_mem>>) src(%dma_wait3A_216 : memref<128x64xf32, #tpu.memory_space<vmem>>) dst(%dma_wait3A_212 : memref<128x64xf32, #tpu.memory_space<hbm>>)
      %dma_start3A_217 = arith.constant 6 : i32
      %dma_start3A_218 = arith.constant 2 : i32
      %dma_start3A_219 = arith.constant 0 : i32
      %dma_start3A_220 = arith.constant 0 : i32
      %dma_start3A_221 = tpu.memref_slice %arg6[%dma_start3A_218, %dma_start3A_219, %dma_start3A_220] : memref<4x128x64xf32, #tpu.memory_space<vmem>> -> memref<1x128x64xf32, #tpu.memory_space<vmem>>
      %dma_start3A_222 = tpu.memref_squeeze %dma_start3A_221 : memref<1x128x64xf32, #tpu.memory_space<vmem>> -> memref<128x64xf32, #tpu.memory_space<vmem>>
      %dma_start3A_223 = arith.constant 0 : i32
      %dma_start3A_224 = tpu.memref_slice %arg5[%dma_start3A_217, %dma_start3A_223] : memref<20x128xi32, #tpu.memory_space<vmem>> -> memref<1x128xi32, #tpu.memory_space<vmem>>
      %dma_start3A_225 = tpu.memref_squeeze %dma_start3A_224 : memref<1x128xi32, #tpu.memory_space<vmem>> -> memref<128xi32, #tpu.memory_space<vmem>>
      %dma_start3A_226 = arith.constant 0 : i32
      %dma_start3A_227 = arith.constant 0 : i32
      %dma_start3A_228 = tpu.memref_slice %arg3[%dma_start3A_226, %dma_start3A_227] : memref<1000000x64xf32, #tpu.memory_space<hbm>> -> memref<1000000x64xf32, #tpu.memory_space<hbm>>
      tpu.enqueue_indirect_dma source(%dma_start3A_228 : memref<1000000x64xf32, #tpu.memory_space<hbm>>) target(%dma_start3A_222 : memref<128x64xf32, #tpu.memory_space<vmem>>) offsets(%dma_start3A_225 : memref<128xi32, #tpu.memory_space<vmem>>) semaphore(%arg9 : memref<!tpu.dma_semaphore, #tpu.memory_space<semaphore_mem>>)
      %mul3A_229 = arith.constant 20 : i32
      %mul3A_230 = arith.muli %scan3A_8, %mul3A_229 : i32
      %add3A_231 = arith.addi %mul3A_2, %mul3A_230 : i32
      %add3A_232 = arith.constant 3 : i32
      %add3A_233 = arith.addi %add3A_231, %add3A_232 : i32
      %mul3A_234 = arith.constant 128 : i32
      %mul3A_235 = arith.muli %add3A_233, %mul3A_234 : i32
      %dma_wait3A_236 = arith.constant 3 : i32
      %dma_wait3A_237 = arith.constant 3 : i32
      %dma_wait3A_238 = arith.constant 0 : i32
      %dma_wait3A_239 = arith.constant 0 : i32
      %dma_wait3A_240 = tpu.memref_slice %arg6[%dma_wait3A_237, %dma_wait3A_238, %dma_wait3A_239] : memref<4x128x64xf32, #tpu.memory_space<vmem>> -> memref<1x128x64xf32, #tpu.memory_space<vmem>>
      %dma_wait3A_241 = tpu.memref_squeeze %dma_wait3A_240 : memref<1x128x64xf32, #tpu.memory_space<vmem>> -> memref<128x64xf32, #tpu.memory_space<vmem>>
      %dma_wait3A_242 = arith.constant 0 : i32
      %dma_wait3A_243 = tpu.memref_slice %arg5[%dma_wait3A_236, %dma_wait3A_242] : memref<20x128xi32, #tpu.memory_space<vmem>> -> memref<1x128xi32, #tpu.memory_space<vmem>>
      %dma_wait3A_244 = tpu.memref_squeeze %dma_wait3A_243 : memref<1x128xi32, #tpu.memory_space<vmem>> -> memref<128xi32, #tpu.memory_space<vmem>>
      %dma_wait3A_245 = arith.constant 0 : i32
      %dma_wait3A_246 = arith.constant 0 : i32
      %dma_wait3A_247 = tpu.memref_slice %arg3[%dma_wait3A_245, %dma_wait3A_246] : memref<1000000x64xf32, #tpu.memory_space<hbm>> -> memref<1000000x64xf32, #tpu.memory_space<hbm>>
      tpu.wait_indirect_dma semaphore(%arg10 : memref<!tpu.dma_semaphore, #tpu.memory_space<semaphore_mem>>) src(%dma_wait3A_247 : memref<1000000x64xf32, #tpu.memory_space<hbm>>) dst(%dma_wait3A_241 : memref<128x64xf32, #tpu.memory_space<vmem>>)
      %dma_start3A_248 = arith.constant 3 : i32
      %dma_start3A_249 = arith.constant 0 : i32
      %dma_start3A_250 = arith.constant 0 : i32
      %dma_start3A_251 = tpu.memref_slice %arg6[%dma_start3A_248, %dma_start3A_249, %dma_start3A_250] : memref<4x128x64xf32, #tpu.memory_space<vmem>> -> memref<1x128x64xf32, #tpu.memory_space<vmem>>
      %dma_start3A_252 = tpu.memref_squeeze %dma_start3A_251 : memref<1x128x64xf32, #tpu.memory_space<vmem>> -> memref<128x64xf32, #tpu.memory_space<vmem>>
      %dma_start3A_253 = arith.constant 0 : i32
      %dma_start3A_254 = tpu.memref_slice %arg4[%mul3A_235, %dma_start3A_253] : memref<819200x64xf32, #tpu.memory_space<hbm>> -> memref<128x64xf32, #tpu.memory_space<hbm>>
      %dma_start3A_255 = arith.constant 0 : i32
      %dma_start3A_256 = tpu.memref_slice %arg4[%mul3A_235, %dma_start3A_255] : memref<819200x64xf32, #tpu.memory_space<hbm>> -> memref<128x64xf32, #tpu.memory_space<hbm>>
      %dma_start3A_257 = arith.constant 0 : i32
      %dma_start3A_258 = arith.constant 0 : i32
      %dma_start3A_259 = tpu.memref_slice %arg6[%dma_start3A_248, %dma_start3A_257, %dma_start3A_258] : memref<4x128x64xf32, #tpu.memory_space<vmem>> -> memref<1x128x64xf32, #tpu.memory_space<vmem>>
      %dma_start3A_260 = tpu.memref_squeeze %dma_start3A_259 : memref<1x128x64xf32, #tpu.memory_space<vmem>> -> memref<128x64xf32, #tpu.memory_space<vmem>>
      tpu.enqueue_dma source(%dma_start3A_260 : memref<128x64xf32, #tpu.memory_space<vmem>>) target(%dma_start3A_256 : memref<128x64xf32, #tpu.memory_space<hbm>>) target_semaphore(%arg14 : memref<!tpu.dma_semaphore, #tpu.memory_space<semaphore_mem>>)
      %dma_wait3A_261 = arith.constant 3 : i32
      %dma_wait3A_262 = arith.constant 0 : i32
      %dma_wait3A_263 = arith.constant 0 : i32
      %dma_wait3A_264 = tpu.memref_slice %arg6[%dma_wait3A_261, %dma_wait3A_262, %dma_wait3A_263] : memref<4x128x64xf32, #tpu.memory_space<vmem>> -> memref<1x128x64xf32, #tpu.memory_space<vmem>>
      %dma_wait3A_265 = tpu.memref_squeeze %dma_wait3A_264 : memref<1x128x64xf32, #tpu.memory_space<vmem>> -> memref<128x64xf32, #tpu.memory_space<vmem>>
      %dma_wait3A_266 = arith.constant 0 : i32
      %dma_wait3A_267 = tpu.memref_slice %arg4[%mul3A_235, %dma_wait3A_266] : memref<819200x64xf32, #tpu.memory_space<hbm>> -> memref<128x64xf32, #tpu.memory_space<hbm>>
      %dma_wait3A_268 = arith.constant 0 : i32
      %dma_wait3A_269 = tpu.memref_slice %arg4[%mul3A_235, %dma_wait3A_268] : memref<819200x64xf32, #tpu.memory_space<hbm>> -> memref<128x64xf32, #tpu.memory_space<hbm>>
      %dma_wait3A_270 = arith.constant 0 : i32
      %dma_wait3A_271 = arith.constant 0 : i32
      %dma_wait3A_272 = tpu.memref_slice %arg6[%dma_wait3A_261, %dma_wait3A_270, %dma_wait3A_271] : memref<4x128x64xf32, #tpu.memory_space<vmem>> -> memref<1x128x64xf32, #tpu.memory_space<vmem>>
      %dma_wait3A_273 = tpu.memref_squeeze %dma_wait3A_272 : memref<1x128x64xf32, #tpu.memory_space<vmem>> -> memref<128x64xf32, #tpu.memory_space<vmem>>
      tpu.wait_dma2 semaphore(%arg14 : memref<!tpu.dma_semaphore, #tpu.memory_space<semaphore_mem>>) src(%dma_wait3A_273 : memref<128x64xf32, #tpu.memory_space<vmem>>) dst(%dma_wait3A_269 : memref<128x64xf32, #tpu.memory_space<hbm>>)
      %dma_start3A_274 = arith.constant 7 : i32
      %dma_start3A_275 = arith.constant 3 : i32
      %dma_start3A_276 = arith.constant 0 : i32
      %dma_start3A_277 = arith.constant 0 : i32
      %dma_start3A_278 = tpu.memref_slice %arg6[%dma_start3A_275, %dma_start3A_276, %dma_start3A_277] : memref<4x128x64xf32, #tpu.memory_space<vmem>> -> memref<1x128x64xf32, #tpu.memory_space<vmem>>
      %dma_start3A_279 = tpu.memref_squeeze %dma_start3A_278 : memref<1x128x64xf32, #tpu.memory_space<vmem>> -> memref<128x64xf32, #tpu.memory_space<vmem>>
      %dma_start3A_280 = arith.constant 0 : i32
      %dma_start3A_281 = tpu.memref_slice %arg5[%dma_start3A_274, %dma_start3A_280] : memref<20x128xi32, #tpu.memory_space<vmem>> -> memref<1x128xi32, #tpu.memory_space<vmem>>
      %dma_start3A_282 = tpu.memref_squeeze %dma_start3A_281 : memref<1x128xi32, #tpu.memory_space<vmem>> -> memref<128xi32, #tpu.memory_space<vmem>>
      %dma_start3A_283 = arith.constant 0 : i32
      %dma_start3A_284 = arith.constant 0 : i32
      %dma_start3A_285 = tpu.memref_slice %arg3[%dma_start3A_283, %dma_start3A_284] : memref<1000000x64xf32, #tpu.memory_space<hbm>> -> memref<1000000x64xf32, #tpu.memory_space<hbm>>
      tpu.enqueue_indirect_dma source(%dma_start3A_285 : memref<1000000x64xf32, #tpu.memory_space<hbm>>) target(%dma_start3A_279 : memref<128x64xf32, #tpu.memory_space<vmem>>) offsets(%dma_start3A_282 : memref<128xi32, #tpu.memory_space<vmem>>) semaphore(%arg10 : memref<!tpu.dma_semaphore, #tpu.memory_space<semaphore_mem>>)
      %mul3A_286 = arith.constant 20 : i32
      %mul3A_287 = arith.muli %scan3A_8, %mul3A_286 : i32
      %add3A_288 = arith.addi %mul3A_2, %mul3A_287 : i32
      %add3A_289 = arith.constant 4 : i32
      %add3A_290 = arith.addi %add3A_288, %add3A_289 : i32
      %mul3A_291 = arith.constant 128 : i32
      %mul3A_292 = arith.muli %add3A_290, %mul3A_291 : i32
      %dma_wait3A_293 = arith.constant 4 : i32
      %dma_wait3A_294 = arith.constant 0 : i32
      %dma_wait3A_295 = arith.constant 0 : i32
      %dma_wait3A_296 = arith.constant 0 : i32
      %dma_wait3A_297 = tpu.memref_slice %arg6[%dma_wait3A_294, %dma_wait3A_295, %dma_wait3A_296] : memref<4x128x64xf32, #tpu.memory_space<vmem>> -> memref<1x128x64xf32, #tpu.memory_space<vmem>>
      %dma_wait3A_298 = tpu.memref_squeeze %dma_wait3A_297 : memref<1x128x64xf32, #tpu.memory_space<vmem>> -> memref<128x64xf32, #tpu.memory_space<vmem>>
      %dma_wait3A_299 = arith.constant 0 : i32
      %dma_wait3A_300 = tpu.memref_slice %arg5[%dma_wait3A_293, %dma_wait3A_299] : memref<20x128xi32, #tpu.memory_space<vmem>> -> memref<1x128xi32, #tpu.memory_space<vmem>>
      %dma_wait3A_301 = tpu.memref_squeeze %dma_wait3A_300 : memref<1x128xi32, #tpu.memory_space<vmem>> -> memref<128xi32, #tpu.memory_space<vmem>>
      %dma_wait3A_302 = arith.constant 0 : i32
      %dma_wait3A_303 = arith.constant 0 : i32
      %dma_wait3A_304 = tpu.memref_slice %arg3[%dma_wait3A_302, %dma_wait3A_303] : memref<1000000x64xf32, #tpu.memory_space<hbm>> -> memref<1000000x64xf32, #tpu.memory_space<hbm>>
      tpu.wait_indirect_dma semaphore(%arg7 : memref<!tpu.dma_semaphore, #tpu.memory_space<semaphore_mem>>) src(%dma_wait3A_304 : memref<1000000x64xf32, #tpu.memory_space<hbm>>) dst(%dma_wait3A_298 : memref<128x64xf32, #tpu.memory_space<vmem>>)
      %dma_start3A_305 = arith.constant 0 : i32
      %dma_start3A_306 = arith.constant 0 : i32
      %dma_start3A_307 = arith.constant 0 : i32
      %dma_start3A_308 = tpu.memref_slice %arg6[%dma_start3A_305, %dma_start3A_306, %dma_start3A_307] : memref<4x128x64xf32, #tpu.memory_space<vmem>> -> memref<1x128x64xf32, #tpu.memory_space<vmem>>
      %dma_start3A_309 = tpu.memref_squeeze %dma_start3A_308 : memref<1x128x64xf32, #tpu.memory_space<vmem>> -> memref<128x64xf32, #tpu.memory_space<vmem>>
      %dma_start3A_310 = arith.constant 0 : i32
      %dma_start3A_311 = tpu.memref_slice %arg4[%mul3A_292, %dma_start3A_310] : memref<819200x64xf32, #tpu.memory_space<hbm>> -> memref<128x64xf32, #tpu.memory_space<hbm>>
      %dma_start3A_312 = arith.constant 0 : i32
      %dma_start3A_313 = tpu.memref_slice %arg4[%mul3A_292, %dma_start3A_312] : memref<819200x64xf32, #tpu.memory_space<hbm>> -> memref<128x64xf32, #tpu.memory_space<hbm>>
      %dma_start3A_314 = arith.constant 0 : i32
      %dma_start3A_315 = arith.constant 0 : i32
      %dma_start3A_316 = tpu.memref_slice %arg6[%dma_start3A_305, %dma_start3A_314, %dma_start3A_315] : memref<4x128x64xf32, #tpu.memory_space<vmem>> -> memref<1x128x64xf32, #tpu.memory_space<vmem>>
      %dma_start3A_317 = tpu.memref_squeeze %dma_start3A_316 : memref<1x128x64xf32, #tpu.memory_space<vmem>> -> memref<128x64xf32, #tpu.memory_space<vmem>>
      tpu.enqueue_dma source(%dma_start3A_317 : memref<128x64xf32, #tpu.memory_space<vmem>>) target(%dma_start3A_313 : memref<128x64xf32, #tpu.memory_space<hbm>>) target_semaphore(%arg11 : memref<!tpu.dma_semaphore, #tpu.memory_space<semaphore_mem>>)
      %dma_wait3A_318 = arith.constant 0 : i32
      %dma_wait3A_319 = arith.constant 0 : i32
      %dma_wait3A_320 = arith.constant 0 : i32
      %dma_wait3A_321 = tpu.memref_slice %arg6[%dma_wait3A_318, %dma_wait3A_319, %dma_wait3A_320] : memref<4x128x64xf32, #tpu.memory_space<vmem>> -> memref<1x128x64xf32, #tpu.memory_space<vmem>>
      %dma_wait3A_322 = tpu.memref_squeeze %dma_wait3A_321 : memref<1x128x64xf32, #tpu.memory_space<vmem>> -> memref<128x64xf32, #tpu.memory_space<vmem>>
      %dma_wait3A_323 = arith.constant 0 : i32
      %dma_wait3A_324 = tpu.memref_slice %arg4[%mul3A_292, %dma_wait3A_323] : memref<819200x64xf32, #tpu.memory_space<hbm>> -> memref<128x64xf32, #tpu.memory_space<hbm>>
      %dma_wait3A_325 = arith.constant 0 : i32
      %dma_wait3A_326 = tpu.memref_slice %arg4[%mul3A_292, %dma_wait3A_325] : memref<819200x64xf32, #tpu.memory_space<hbm>> -> memref<128x64xf32, #tpu.memory_space<hbm>>
      %dma_wait3A_327 = arith.constant 0 : i32
      %dma_wait3A_328 = arith.constant 0 : i32
      %dma_wait3A_329 = tpu.memref_slice %arg6[%dma_wait3A_318, %dma_wait3A_327, %dma_wait3A_328] : memref<4x128x64xf32, #tpu.memory_space<vmem>> -> memref<1x128x64xf32, #tpu.memory_space<vmem>>
      %dma_wait3A_330 = tpu.memref_squeeze %dma_wait3A_329 : memref<1x128x64xf32, #tpu.memory_space<vmem>> -> memref<128x64xf32, #tpu.memory_space<vmem>>
      tpu.wait_dma2 semaphore(%arg11 : memref<!tpu.dma_semaphore, #tpu.memory_space<semaphore_mem>>) src(%dma_wait3A_330 : memref<128x64xf32, #tpu.memory_space<vmem>>) dst(%dma_wait3A_326 : memref<128x64xf32, #tpu.memory_space<hbm>>)
      %dma_start3A_331 = arith.constant 8 : i32
      %dma_start3A_332 = arith.constant 0 : i32
      %dma_start3A_333 = arith.constant 0 : i32
      %dma_start3A_334 = arith.constant 0 : i32
      %dma_start3A_335 = tpu.memref_slice %arg6[%dma_start3A_332, %dma_start3A_333, %dma_start3A_334] : memref<4x128x64xf32, #tpu.memory_space<vmem>> -> memref<1x128x64xf32, #tpu.memory_space<vmem>>
      %dma_start3A_336 = tpu.memref_squeeze %dma_start3A_335 : memref<1x128x64xf32, #tpu.memory_space<vmem>> -> memref<128x64xf32, #tpu.memory_space<vmem>>
      %dma_start3A_337 = arith.constant 0 : i32
      %dma_start3A_338 = tpu.memref_slice %arg5[%dma_start3A_331, %dma_start3A_337] : memref<20x128xi32, #tpu.memory_space<vmem>> -> memref<1x128xi32, #tpu.memory_space<vmem>>
      %dma_start3A_339 = tpu.memref_squeeze %dma_start3A_338 : memref<1x128xi32, #tpu.memory_space<vmem>> -> memref<128xi32, #tpu.memory_space<vmem>>
      %dma_start3A_340 = arith.constant 0 : i32
      %dma_start3A_341 = arith.constant 0 : i32
      %dma_start3A_342 = tpu.memref_slice %arg3[%dma_start3A_340, %dma_start3A_341] : memref<1000000x64xf32, #tpu.memory_space<hbm>> -> memref<1000000x64xf32, #tpu.memory_space<hbm>>
      tpu.enqueue_indirect_dma source(%dma_start3A_342 : memref<1000000x64xf32, #tpu.memory_space<hbm>>) target(%dma_start3A_336 : memref<128x64xf32, #tpu.memory_space<vmem>>) offsets(%dma_start3A_339 : memref<128xi32, #tpu.memory_space<vmem>>) semaphore(%arg7 : memref<!tpu.dma_semaphore, #tpu.memory_space<semaphore_mem>>)
      %mul3A_343 = arith.constant 20 : i32
      %mul3A_344 = arith.muli %scan3A_8, %mul3A_343 : i32
      %add3A_345 = arith.addi %mul3A_2, %mul3A_344 : i32
      %add3A_346 = arith.constant 5 : i32
      %add3A_347 = arith.addi %add3A_345, %add3A_346 : i32
      %mul3A_348 = arith.constant 128 : i32
      %mul3A_349 = arith.muli %add3A_347, %mul3A_348 : i32
      %dma_wait3A_350 = arith.constant 5 : i32
      %dma_wait3A_351 = arith.constant 1 : i32
      %dma_wait3A_352 = arith.constant 0 : i32
      %dma_wait3A_353 = arith.constant 0 : i32
      %dma_wait3A_354 = tpu.memref_slice %arg6[%dma_wait3A_351, %dma_wait3A_352, %dma_wait3A_353] : memref<4x128x64xf32, #tpu.memory_space<vmem>> -> memref<1x128x64xf32, #tpu.memory_space<vmem>>
      %dma_wait3A_355 = tpu.memref_squeeze %dma_wait3A_354 : memref<1x128x64xf32, #tpu.memory_space<vmem>> -> memref<128x64xf32, #tpu.memory_space<vmem>>
      %dma_wait3A_356 = arith.constant 0 : i32
      %dma_wait3A_357 = tpu.memref_slice %arg5[%dma_wait3A_350, %dma_wait3A_356] : memref<20x128xi32, #tpu.memory_space<vmem>> -> memref<1x128xi32, #tpu.memory_space<vmem>>
      %dma_wait3A_358 = tpu.memref_squeeze %dma_wait3A_357 : memref<1x128xi32, #tpu.memory_space<vmem>> -> memref<128xi32, #tpu.memory_space<vmem>>
      %dma_wait3A_359 = arith.constant 0 : i32
      %dma_wait3A_360 = arith.constant 0 : i32
      %dma_wait3A_361 = tpu.memref_slice %arg3[%dma_wait3A_359, %dma_wait3A_360] : memref<1000000x64xf32, #tpu.memory_space<hbm>> -> memref<1000000x64xf32, #tpu.memory_space<hbm>>
      tpu.wait_indirect_dma semaphore(%arg8 : memref<!tpu.dma_semaphore, #tpu.memory_space<semaphore_mem>>) src(%dma_wait3A_361 : memref<1000000x64xf32, #tpu.memory_space<hbm>>) dst(%dma_wait3A_355 : memref<128x64xf32, #tpu.memory_space<vmem>>)
      %dma_start3A_362 = arith.constant 1 : i32
      %dma_start3A_363 = arith.constant 0 : i32
      %dma_start3A_364 = arith.constant 0 : i32
      %dma_start3A_365 = tpu.memref_slice %arg6[%dma_start3A_362, %dma_start3A_363, %dma_start3A_364] : memref<4x128x64xf32, #tpu.memory_space<vmem>> -> memref<1x128x64xf32, #tpu.memory_space<vmem>>
      %dma_start3A_366 = tpu.memref_squeeze %dma_start3A_365 : memref<1x128x64xf32, #tpu.memory_space<vmem>> -> memref<128x64xf32, #tpu.memory_space<vmem>>
      %dma_start3A_367 = arith.constant 0 : i32
      %dma_start3A_368 = tpu.memref_slice %arg4[%mul3A_349, %dma_start3A_367] : memref<819200x64xf32, #tpu.memory_space<hbm>> -> memref<128x64xf32, #tpu.memory_space<hbm>>
      %dma_start3A_369 = arith.constant 0 : i32
      %dma_start3A_370 = tpu.memref_slice %arg4[%mul3A_349, %dma_start3A_369] : memref<819200x64xf32, #tpu.memory_space<hbm>> -> memref<128x64xf32, #tpu.memory_space<hbm>>
      %dma_start3A_371 = arith.constant 0 : i32
      %dma_start3A_372 = arith.constant 0 : i32
      %dma_start3A_373 = tpu.memref_slice %arg6[%dma_start3A_362, %dma_start3A_371, %dma_start3A_372] : memref<4x128x64xf32, #tpu.memory_space<vmem>> -> memref<1x128x64xf32, #tpu.memory_space<vmem>>
      %dma_start3A_374 = tpu.memref_squeeze %dma_start3A_373 : memref<1x128x64xf32, #tpu.memory_space<vmem>> -> memref<128x64xf32, #tpu.memory_space<vmem>>
      tpu.enqueue_dma source(%dma_start3A_374 : memref<128x64xf32, #tpu.memory_space<vmem>>) target(%dma_start3A_370 : memref<128x64xf32, #tpu.memory_space<hbm>>) target_semaphore(%arg12 : memref<!tpu.dma_semaphore, #tpu.memory_space<semaphore_mem>>)
      %dma_wait3A_375 = arith.constant 1 : i32
      %dma_wait3A_376 = arith.constant 0 : i32
      %dma_wait3A_377 = arith.constant 0 : i32
      %dma_wait3A_378 = tpu.memref_slice %arg6[%dma_wait3A_375, %dma_wait3A_376, %dma_wait3A_377] : memref<4x128x64xf32, #tpu.memory_space<vmem>> -> memref<1x128x64xf32, #tpu.memory_space<vmem>>
      %dma_wait3A_379 = tpu.memref_squeeze %dma_wait3A_378 : memref<1x128x64xf32, #tpu.memory_space<vmem>> -> memref<128x64xf32, #tpu.memory_space<vmem>>
      %dma_wait3A_380 = arith.constant 0 : i32
      %dma_wait3A_381 = tpu.memref_slice %arg4[%mul3A_349, %dma_wait3A_380] : memref<819200x64xf32, #tpu.memory_space<hbm>> -> memref<128x64xf32, #tpu.memory_space<hbm>>
      %dma_wait3A_382 = arith.constant 0 : i32
      %dma_wait3A_383 = tpu.memref_slice %arg4[%mul3A_349, %dma_wait3A_382] : memref<819200x64xf32, #tpu.memory_space<hbm>> -> memref<128x64xf32, #tpu.memory_space<hbm>>
      %dma_wait3A_384 = arith.constant 0 : i32
      %dma_wait3A_385 = arith.constant 0 : i32
      %dma_wait3A_386 = tpu.memref_slice %arg6[%dma_wait3A_375, %dma_wait3A_384, %dma_wait3A_385] : memref<4x128x64xf32, #tpu.memory_space<vmem>> -> memref<1x128x64xf32, #tpu.memory_space<vmem>>
      %dma_wait3A_387 = tpu.memref_squeeze %dma_wait3A_386 : memref<1x128x64xf32, #tpu.memory_space<vmem>> -> memref<128x64xf32, #tpu.memory_space<vmem>>
      tpu.wait_dma2 semaphore(%arg12 : memref<!tpu.dma_semaphore, #tpu.memory_space<semaphore_mem>>) src(%dma_wait3A_387 : memref<128x64xf32, #tpu.memory_space<vmem>>) dst(%dma_wait3A_383 : memref<128x64xf32, #tpu.memory_space<hbm>>)
      %dma_start3A_388 = arith.constant 9 : i32
      %dma_start3A_389 = arith.constant 1 : i32
      %dma_start3A_390 = arith.constant 0 : i32
      %dma_start3A_391 = arith.constant 0 : i32
      %dma_start3A_392 = tpu.memref_slice %arg6[%dma_start3A_389, %dma_start3A_390, %dma_start3A_391] : memref<4x128x64xf32, #tpu.memory_space<vmem>> -> memref<1x128x64xf32, #tpu.memory_space<vmem>>
      %dma_start3A_393 = tpu.memref_squeeze %dma_start3A_392 : memref<1x128x64xf32, #tpu.memory_space<vmem>> -> memref<128x64xf32, #tpu.memory_space<vmem>>
      %dma_start3A_394 = arith.constant 0 : i32
      %dma_start3A_395 = tpu.memref_slice %arg5[%dma_start3A_388, %dma_start3A_394] : memref<20x128xi32, #tpu.memory_space<vmem>> -> memref<1x128xi32, #tpu.memory_space<vmem>>
      %dma_start3A_396 = tpu.memref_squeeze %dma_start3A_395 : memref<1x128xi32, #tpu.memory_space<vmem>> -> memref<128xi32, #tpu.memory_space<vmem>>
      %dma_start3A_397 = arith.constant 0 : i32
      %dma_start3A_398 = arith.constant 0 : i32
      %dma_start3A_399 = tpu.memref_slice %arg3[%dma_start3A_397, %dma_start3A_398] : memref<1000000x64xf32, #tpu.memory_space<hbm>> -> memref<1000000x64xf32, #tpu.memory_space<hbm>>
      tpu.enqueue_indirect_dma source(%dma_start3A_399 : memref<1000000x64xf32, #tpu.memory_space<hbm>>) target(%dma_start3A_393 : memref<128x64xf32, #tpu.memory_space<vmem>>) offsets(%dma_start3A_396 : memref<128xi32, #tpu.memory_space<vmem>>) semaphore(%arg8 : memref<!tpu.dma_semaphore, #tpu.memory_space<semaphore_mem>>)
      %mul3A_400 = arith.constant 20 : i32
      %mul3A_401 = arith.muli %scan3A_8, %mul3A_400 : i32
      %add3A_402 = arith.addi %mul3A_2, %mul3A_401 : i32
      %add3A_403 = arith.constant 6 : i32
      %add3A_404 = arith.addi %add3A_402, %add3A_403 : i32
      %mul3A_405 = arith.constant 128 : i32
      %mul3A_406 = arith.muli %add3A_404, %mul3A_405 : i32
      %dma_wait3A_407 = arith.constant 6 : i32
      %dma_wait3A_408 = arith.constant 2 : i32
      %dma_wait3A_409 = arith.constant 0 : i32
      %dma_wait3A_410 = arith.constant 0 : i32
      %dma_wait3A_411 = tpu.memref_slice %arg6[%dma_wait3A_408, %dma_wait3A_409, %dma_wait3A_410] : memref<4x128x64xf32, #tpu.memory_space<vmem>> -> memref<1x128x64xf32, #tpu.memory_space<vmem>>
      %dma_wait3A_412 = tpu.memref_squeeze %dma_wait3A_411 : memref<1x128x64xf32, #tpu.memory_space<vmem>> -> memref<128x64xf32, #tpu.memory_space<vmem>>
      %dma_wait3A_413 = arith.constant 0 : i32
      %dma_wait3A_414 = tpu.memref_slice %arg5[%dma_wait3A_407, %dma_wait3A_413] : memref<20x128xi32, #tpu.memory_space<vmem>> -> memref<1x128xi32, #tpu.memory_space<vmem>>
      %dma_wait3A_415 = tpu.memref_squeeze %dma_wait3A_414 : memref<1x128xi32, #tpu.memory_space<vmem>> -> memref<128xi32, #tpu.memory_space<vmem>>
      %dma_wait3A_416 = arith.constant 0 : i32
      %dma_wait3A_417 = arith.constant 0 : i32
      %dma_wait3A_418 = tpu.memref_slice %arg3[%dma_wait3A_416, %dma_wait3A_417] : memref<1000000x64xf32, #tpu.memory_space<hbm>> -> memref<1000000x64xf32, #tpu.memory_space<hbm>>
      tpu.wait_indirect_dma semaphore(%arg9 : memref<!tpu.dma_semaphore, #tpu.memory_space<semaphore_mem>>) src(%dma_wait3A_418 : memref<1000000x64xf32, #tpu.memory_space<hbm>>) dst(%dma_wait3A_412 : memref<128x64xf32, #tpu.memory_space<vmem>>)
      %dma_start3A_419 = arith.constant 2 : i32
      %dma_start3A_420 = arith.constant 0 : i32
      %dma_start3A_421 = arith.constant 0 : i32
      %dma_start3A_422 = tpu.memref_slice %arg6[%dma_start3A_419, %dma_start3A_420, %dma_start3A_421] : memref<4x128x64xf32, #tpu.memory_space<vmem>> -> memref<1x128x64xf32, #tpu.memory_space<vmem>>
      %dma_start3A_423 = tpu.memref_squeeze %dma_start3A_422 : memref<1x128x64xf32, #tpu.memory_space<vmem>> -> memref<128x64xf32, #tpu.memory_space<vmem>>
      %dma_start3A_424 = arith.constant 0 : i32
      %dma_start3A_425 = tpu.memref_slice %arg4[%mul3A_406, %dma_start3A_424] : memref<819200x64xf32, #tpu.memory_space<hbm>> -> memref<128x64xf32, #tpu.memory_space<hbm>>
      %dma_start3A_426 = arith.constant 0 : i32
      %dma_start3A_427 = tpu.memref_slice %arg4[%mul3A_406, %dma_start3A_426] : memref<819200x64xf32, #tpu.memory_space<hbm>> -> memref<128x64xf32, #tpu.memory_space<hbm>>
      %dma_start3A_428 = arith.constant 0 : i32
      %dma_start3A_429 = arith.constant 0 : i32
      %dma_start3A_430 = tpu.memref_slice %arg6[%dma_start3A_419, %dma_start3A_428, %dma_start3A_429] : memref<4x128x64xf32, #tpu.memory_space<vmem>> -> memref<1x128x64xf32, #tpu.memory_space<vmem>>
      %dma_start3A_431 = tpu.memref_squeeze %dma_start3A_430 : memref<1x128x64xf32, #tpu.memory_space<vmem>> -> memref<128x64xf32, #tpu.memory_space<vmem>>
      tpu.enqueue_dma source(%dma_start3A_431 : memref<128x64xf32, #tpu.memory_space<vmem>>) target(%dma_start3A_427 : memref<128x64xf32, #tpu.memory_space<hbm>>) target_semaphore(%arg13 : memref<!tpu.dma_semaphore, #tpu.memory_space<semaphore_mem>>)
      %dma_wait3A_432 = arith.constant 2 : i32
      %dma_wait3A_433 = arith.constant 0 : i32
      %dma_wait3A_434 = arith.constant 0 : i32
      %dma_wait3A_435 = tpu.memref_slice %arg6[%dma_wait3A_432, %dma_wait3A_433, %dma_wait3A_434] : memref<4x128x64xf32, #tpu.memory_space<vmem>> -> memref<1x128x64xf32, #tpu.memory_space<vmem>>
      %dma_wait3A_436 = tpu.memref_squeeze %dma_wait3A_435 : memref<1x128x64xf32, #tpu.memory_space<vmem>> -> memref<128x64xf32, #tpu.memory_space<vmem>>
      %dma_wait3A_437 = arith.constant 0 : i32
      %dma_wait3A_438 = tpu.memref_slice %arg4[%mul3A_406, %dma_wait3A_437] : memref<819200x64xf32, #tpu.memory_space<hbm>> -> memref<128x64xf32, #tpu.memory_space<hbm>>
      %dma_wait3A_439 = arith.constant 0 : i32
      %dma_wait3A_440 = tpu.memref_slice %arg4[%mul3A_406, %dma_wait3A_439] : memref<819200x64xf32, #tpu.memory_space<hbm>> -> memref<128x64xf32, #tpu.memory_space<hbm>>
      %dma_wait3A_441 = arith.constant 0 : i32
      %dma_wait3A_442 = arith.constant 0 : i32
      %dma_wait3A_443 = tpu.memref_slice %arg6[%dma_wait3A_432, %dma_wait3A_441, %dma_wait3A_442] : memref<4x128x64xf32, #tpu.memory_space<vmem>> -> memref<1x128x64xf32, #tpu.memory_space<vmem>>
      %dma_wait3A_444 = tpu.memref_squeeze %dma_wait3A_443 : memref<1x128x64xf32, #tpu.memory_space<vmem>> -> memref<128x64xf32, #tpu.memory_space<vmem>>
      tpu.wait_dma2 semaphore(%arg13 : memref<!tpu.dma_semaphore, #tpu.memory_space<semaphore_mem>>) src(%dma_wait3A_444 : memref<128x64xf32, #tpu.memory_space<vmem>>) dst(%dma_wait3A_440 : memref<128x64xf32, #tpu.memory_space<hbm>>)
      %dma_start3A_445 = arith.constant 10 : i32
      %dma_start3A_446 = arith.constant 2 : i32
      %dma_start3A_447 = arith.constant 0 : i32
      %dma_start3A_448 = arith.constant 0 : i32
      %dma_start3A_449 = tpu.memref_slice %arg6[%dma_start3A_446, %dma_start3A_447, %dma_start3A_448] : memref<4x128x64xf32, #tpu.memory_space<vmem>> -> memref<1x128x64xf32, #tpu.memory_space<vmem>>
      %dma_start3A_450 = tpu.memref_squeeze %dma_start3A_449 : memref<1x128x64xf32, #tpu.memory_space<vmem>> -> memref<128x64xf32, #tpu.memory_space<vmem>>
      %dma_start3A_451 = arith.constant 0 : i32
      %dma_start3A_452 = tpu.memref_slice %arg5[%dma_start3A_445, %dma_start3A_451] : memref<20x128xi32, #tpu.memory_space<vmem>> -> memref<1x128xi32, #tpu.memory_space<vmem>>
      %dma_start3A_453 = tpu.memref_squeeze %dma_start3A_452 : memref<1x128xi32, #tpu.memory_space<vmem>> -> memref<128xi32, #tpu.memory_space<vmem>>
      %dma_start3A_454 = arith.constant 0 : i32
      %dma_start3A_455 = arith.constant 0 : i32
      %dma_start3A_456 = tpu.memref_slice %arg3[%dma_start3A_454, %dma_start3A_455] : memref<1000000x64xf32, #tpu.memory_space<hbm>> -> memref<1000000x64xf32, #tpu.memory_space<hbm>>
      tpu.enqueue_indirect_dma source(%dma_start3A_456 : memref<1000000x64xf32, #tpu.memory_space<hbm>>) target(%dma_start3A_450 : memref<128x64xf32, #tpu.memory_space<vmem>>) offsets(%dma_start3A_453 : memref<128xi32, #tpu.memory_space<vmem>>) semaphore(%arg9 : memref<!tpu.dma_semaphore, #tpu.memory_space<semaphore_mem>>)
      %mul3A_457 = arith.constant 20 : i32
      %mul3A_458 = arith.muli %scan3A_8, %mul3A_457 : i32
      %add3A_459 = arith.addi %mul3A_2, %mul3A_458 : i32
      %add3A_460 = arith.constant 7 : i32
      %add3A_461 = arith.addi %add3A_459, %add3A_460 : i32
      %mul3A_462 = arith.constant 128 : i32
      %mul3A_463 = arith.muli %add3A_461, %mul3A_462 : i32
      %dma_wait3A_464 = arith.constant 7 : i32
      %dma_wait3A_465 = arith.constant 3 : i32
      %dma_wait3A_466 = arith.constant 0 : i32
      %dma_wait3A_467 = arith.constant 0 : i32
      %dma_wait3A_468 = tpu.memref_slice %arg6[%dma_wait3A_465, %dma_wait3A_466, %dma_wait3A_467] : memref<4x128x64xf32, #tpu.memory_space<vmem>> -> memref<1x128x64xf32, #tpu.memory_space<vmem>>
      %dma_wait3A_469 = tpu.memref_squeeze %dma_wait3A_468 : memref<1x128x64xf32, #tpu.memory_space<vmem>> -> memref<128x64xf32, #tpu.memory_space<vmem>>
      %dma_wait3A_470 = arith.constant 0 : i32
      %dma_wait3A_471 = tpu.memref_slice %arg5[%dma_wait3A_464, %dma_wait3A_470] : memref<20x128xi32, #tpu.memory_space<vmem>> -> memref<1x128xi32, #tpu.memory_space<vmem>>
      %dma_wait3A_472 = tpu.memref_squeeze %dma_wait3A_471 : memref<1x128xi32, #tpu.memory_space<vmem>> -> memref<128xi32, #tpu.memory_space<vmem>>
      %dma_wait3A_473 = arith.constant 0 : i32
      %dma_wait3A_474 = arith.constant 0 : i32
      %dma_wait3A_475 = tpu.memref_slice %arg3[%dma_wait3A_473, %dma_wait3A_474] : memref<1000000x64xf32, #tpu.memory_space<hbm>> -> memref<1000000x64xf32, #tpu.memory_space<hbm>>
      tpu.wait_indirect_dma semaphore(%arg10 : memref<!tpu.dma_semaphore, #tpu.memory_space<semaphore_mem>>) src(%dma_wait3A_475 : memref<1000000x64xf32, #tpu.memory_space<hbm>>) dst(%dma_wait3A_469 : memref<128x64xf32, #tpu.memory_space<vmem>>)
      %dma_start3A_476 = arith.constant 3 : i32
      %dma_start3A_477 = arith.constant 0 : i32
      %dma_start3A_478 = arith.constant 0 : i32
      %dma_start3A_479 = tpu.memref_slice %arg6[%dma_start3A_476, %dma_start3A_477, %dma_start3A_478] : memref<4x128x64xf32, #tpu.memory_space<vmem>> -> memref<1x128x64xf32, #tpu.memory_space<vmem>>
      %dma_start3A_480 = tpu.memref_squeeze %dma_start3A_479 : memref<1x128x64xf32, #tpu.memory_space<vmem>> -> memref<128x64xf32, #tpu.memory_space<vmem>>
      %dma_start3A_481 = arith.constant 0 : i32
      %dma_start3A_482 = tpu.memref_slice %arg4[%mul3A_463, %dma_start3A_481] : memref<819200x64xf32, #tpu.memory_space<hbm>> -> memref<128x64xf32, #tpu.memory_space<hbm>>
      %dma_start3A_483 = arith.constant 0 : i32
      %dma_start3A_484 = tpu.memref_slice %arg4[%mul3A_463, %dma_start3A_483] : memref<819200x64xf32, #tpu.memory_space<hbm>> -> memref<128x64xf32, #tpu.memory_space<hbm>>
      %dma_start3A_485 = arith.constant 0 : i32
      %dma_start3A_486 = arith.constant 0 : i32
      %dma_start3A_487 = tpu.memref_slice %arg6[%dma_start3A_476, %dma_start3A_485, %dma_start3A_486] : memref<4x128x64xf32, #tpu.memory_space<vmem>> -> memref<1x128x64xf32, #tpu.memory_space<vmem>>
      %dma_start3A_488 = tpu.memref_squeeze %dma_start3A_487 : memref<1x128x64xf32, #tpu.memory_space<vmem>> -> memref<128x64xf32, #tpu.memory_space<vmem>>
      tpu.enqueue_dma source(%dma_start3A_488 : memref<128x64xf32, #tpu.memory_space<vmem>>) target(%dma_start3A_484 : memref<128x64xf32, #tpu.memory_space<hbm>>) target_semaphore(%arg14 : memref<!tpu.dma_semaphore, #tpu.memory_space<semaphore_mem>>)
      %dma_wait3A_489 = arith.constant 3 : i32
      %dma_wait3A_490 = arith.constant 0 : i32
      %dma_wait3A_491 = arith.constant 0 : i32
      %dma_wait3A_492 = tpu.memref_slice %arg6[%dma_wait3A_489, %dma_wait3A_490, %dma_wait3A_491] : memref<4x128x64xf32, #tpu.memory_space<vmem>> -> memref<1x128x64xf32, #tpu.memory_space<vmem>>
      %dma_wait3A_493 = tpu.memref_squeeze %dma_wait3A_492 : memref<1x128x64xf32, #tpu.memory_space<vmem>> -> memref<128x64xf32, #tpu.memory_space<vmem>>
      %dma_wait3A_494 = arith.constant 0 : i32
      %dma_wait3A_495 = tpu.memref_slice %arg4[%mul3A_463, %dma_wait3A_494] : memref<819200x64xf32, #tpu.memory_space<hbm>> -> memref<128x64xf32, #tpu.memory_space<hbm>>
      %dma_wait3A_496 = arith.constant 0 : i32
      %dma_wait3A_497 = tpu.memref_slice %arg4[%mul3A_463, %dma_wait3A_496] : memref<819200x64xf32, #tpu.memory_space<hbm>> -> memref<128x64xf32, #tpu.memory_space<hbm>>
      %dma_wait3A_498 = arith.constant 0 : i32
      %dma_wait3A_499 = arith.constant 0 : i32
      %dma_wait3A_500 = tpu.memref_slice %arg6[%dma_wait3A_489, %dma_wait3A_498, %dma_wait3A_499] : memref<4x128x64xf32, #tpu.memory_space<vmem>> -> memref<1x128x64xf32, #tpu.memory_space<vmem>>
      %dma_wait3A_501 = tpu.memref_squeeze %dma_wait3A_500 : memref<1x128x64xf32, #tpu.memory_space<vmem>> -> memref<128x64xf32, #tpu.memory_space<vmem>>
      tpu.wait_dma2 semaphore(%arg14 : memref<!tpu.dma_semaphore, #tpu.memory_space<semaphore_mem>>) src(%dma_wait3A_501 : memref<128x64xf32, #tpu.memory_space<vmem>>) dst(%dma_wait3A_497 : memref<128x64xf32, #tpu.memory_space<hbm>>)
      %dma_start3A_502 = arith.constant 11 : i32
      %dma_start3A_503 = arith.constant 3 : i32
      %dma_start3A_504 = arith.constant 0 : i32
      %dma_start3A_505 = arith.constant 0 : i32
      %dma_start3A_506 = tpu.memref_slice %arg6[%dma_start3A_503, %dma_start3A_504, %dma_start3A_505] : memref<4x128x64xf32, #tpu.memory_space<vmem>> -> memref<1x128x64xf32, #tpu.memory_space<vmem>>
      %dma_start3A_507 = tpu.memref_squeeze %dma_start3A_506 : memref<1x128x64xf32, #tpu.memory_space<vmem>> -> memref<128x64xf32, #tpu.memory_space<vmem>>
      %dma_start3A_508 = arith.constant 0 : i32
      %dma_start3A_509 = tpu.memref_slice %arg5[%dma_start3A_502, %dma_start3A_508] : memref<20x128xi32, #tpu.memory_space<vmem>> -> memref<1x128xi32, #tpu.memory_space<vmem>>
      %dma_start3A_510 = tpu.memref_squeeze %dma_start3A_509 : memref<1x128xi32, #tpu.memory_space<vmem>> -> memref<128xi32, #tpu.memory_space<vmem>>
      %dma_start3A_511 = arith.constant 0 : i32
      %dma_start3A_512 = arith.constant 0 : i32
      %dma_start3A_513 = tpu.memref_slice %arg3[%dma_start3A_511, %dma_start3A_512] : memref<1000000x64xf32, #tpu.memory_space<hbm>> -> memref<1000000x64xf32, #tpu.memory_space<hbm>>
      tpu.enqueue_indirect_dma source(%dma_start3A_513 : memref<1000000x64xf32, #tpu.memory_space<hbm>>) target(%dma_start3A_507 : memref<128x64xf32, #tpu.memory_space<vmem>>) offsets(%dma_start3A_510 : memref<128xi32, #tpu.memory_space<vmem>>) semaphore(%arg10 : memref<!tpu.dma_semaphore, #tpu.memory_space<semaphore_mem>>)
      %mul3A_514 = arith.constant 20 : i32
      %mul3A_515 = arith.muli %scan3A_8, %mul3A_514 : i32
      %add3A_516 = arith.addi %mul3A_2, %mul3A_515 : i32
      %add3A_517 = arith.constant 8 : i32
      %add3A_518 = arith.addi %add3A_516, %add3A_517 : i32
      %mul3A_519 = arith.constant 128 : i32
      %mul3A_520 = arith.muli %add3A_518, %mul3A_519 : i32
      %dma_wait3A_521 = arith.constant 8 : i32
      %dma_wait3A_522 = arith.constant 0 : i32
      %dma_wait3A_523 = arith.constant 0 : i32
      %dma_wait3A_524 = arith.constant 0 : i32
      %dma_wait3A_525 = tpu.memref_slice %arg6[%dma_wait3A_522, %dma_wait3A_523, %dma_wait3A_524] : memref<4x128x64xf32, #tpu.memory_space<vmem>> -> memref<1x128x64xf32, #tpu.memory_space<vmem>>
      %dma_wait3A_526 = tpu.memref_squeeze %dma_wait3A_525 : memref<1x128x64xf32, #tpu.memory_space<vmem>> -> memref<128x64xf32, #tpu.memory_space<vmem>>
      %dma_wait3A_527 = arith.constant 0 : i32
      %dma_wait3A_528 = tpu.memref_slice %arg5[%dma_wait3A_521, %dma_wait3A_527] : memref<20x128xi32, #tpu.memory_space<vmem>> -> memref<1x128xi32, #tpu.memory_space<vmem>>
      %dma_wait3A_529 = tpu.memref_squeeze %dma_wait3A_528 : memref<1x128xi32, #tpu.memory_space<vmem>> -> memref<128xi32, #tpu.memory_space<vmem>>
      %dma_wait3A_530 = arith.constant 0 : i32
      %dma_wait3A_531 = arith.constant 0 : i32
      %dma_wait3A_532 = tpu.memref_slice %arg3[%dma_wait3A_530, %dma_wait3A_531] : memref<1000000x64xf32, #tpu.memory_space<hbm>> -> memref<1000000x64xf32, #tpu.memory_space<hbm>>
      tpu.wait_indirect_dma semaphore(%arg7 : memref<!tpu.dma_semaphore, #tpu.memory_space<semaphore_mem>>) src(%dma_wait3A_532 : memref<1000000x64xf32, #tpu.memory_space<hbm>>) dst(%dma_wait3A_526 : memref<128x64xf32, #tpu.memory_space<vmem>>)
      %dma_start3A_533 = arith.constant 0 : i32
      %dma_start3A_534 = arith.constant 0 : i32
      %dma_start3A_535 = arith.constant 0 : i32
      %dma_start3A_536 = tpu.memref_slice %arg6[%dma_start3A_533, %dma_start3A_534, %dma_start3A_535] : memref<4x128x64xf32, #tpu.memory_space<vmem>> -> memref<1x128x64xf32, #tpu.memory_space<vmem>>
      %dma_start3A_537 = tpu.memref_squeeze %dma_start3A_536 : memref<1x128x64xf32, #tpu.memory_space<vmem>> -> memref<128x64xf32, #tpu.memory_space<vmem>>
      %dma_start3A_538 = arith.constant 0 : i32
      %dma_start3A_539 = tpu.memref_slice %arg4[%mul3A_520, %dma_start3A_538] : memref<819200x64xf32, #tpu.memory_space<hbm>> -> memref<128x64xf32, #tpu.memory_space<hbm>>
      %dma_start3A_540 = arith.constant 0 : i32
      %dma_start3A_541 = tpu.memref_slice %arg4[%mul3A_520, %dma_start3A_540] : memref<819200x64xf32, #tpu.memory_space<hbm>> -> memref<128x64xf32, #tpu.memory_space<hbm>>
      %dma_start3A_542 = arith.constant 0 : i32
      %dma_start3A_543 = arith.constant 0 : i32
      %dma_start3A_544 = tpu.memref_slice %arg6[%dma_start3A_533, %dma_start3A_542, %dma_start3A_543] : memref<4x128x64xf32, #tpu.memory_space<vmem>> -> memref<1x128x64xf32, #tpu.memory_space<vmem>>
      %dma_start3A_545 = tpu.memref_squeeze %dma_start3A_544 : memref<1x128x64xf32, #tpu.memory_space<vmem>> -> memref<128x64xf32, #tpu.memory_space<vmem>>
      tpu.enqueue_dma source(%dma_start3A_545 : memref<128x64xf32, #tpu.memory_space<vmem>>) target(%dma_start3A_541 : memref<128x64xf32, #tpu.memory_space<hbm>>) target_semaphore(%arg11 : memref<!tpu.dma_semaphore, #tpu.memory_space<semaphore_mem>>)
      %dma_wait3A_546 = arith.constant 0 : i32
      %dma_wait3A_547 = arith.constant 0 : i32
      %dma_wait3A_548 = arith.constant 0 : i32
      %dma_wait3A_549 = tpu.memref_slice %arg6[%dma_wait3A_546, %dma_wait3A_547, %dma_wait3A_548] : memref<4x128x64xf32, #tpu.memory_space<vmem>> -> memref<1x128x64xf32, #tpu.memory_space<vmem>>
      %dma_wait3A_550 = tpu.memref_squeeze %dma_wait3A_549 : memref<1x128x64xf32, #tpu.memory_space<vmem>> -> memref<128x64xf32, #tpu.memory_space<vmem>>
      %dma_wait3A_551 = arith.constant 0 : i32
      %dma_wait3A_552 = tpu.memref_slice %arg4[%mul3A_520, %dma_wait3A_551] : memref<819200x64xf32, #tpu.memory_space<hbm>> -> memref<128x64xf32, #tpu.memory_space<hbm>>
      %dma_wait3A_553 = arith.constant 0 : i32
      %dma_wait3A_554 = tpu.memref_slice %arg4[%mul3A_520, %dma_wait3A_553] : memref<819200x64xf32, #tpu.memory_space<hbm>> -> memref<128x64xf32, #tpu.memory_space<hbm>>
      %dma_wait3A_555 = arith.constant 0 : i32
      %dma_wait3A_556 = arith.constant 0 : i32
      %dma_wait3A_557 = tpu.memref_slice %arg6[%dma_wait3A_546, %dma_wait3A_555, %dma_wait3A_556] : memref<4x128x64xf32, #tpu.memory_space<vmem>> -> memref<1x128x64xf32, #tpu.memory_space<vmem>>
      %dma_wait3A_558 = tpu.memref_squeeze %dma_wait3A_557 : memref<1x128x64xf32, #tpu.memory_space<vmem>> -> memref<128x64xf32, #tpu.memory_space<vmem>>
      tpu.wait_dma2 semaphore(%arg11 : memref<!tpu.dma_semaphore, #tpu.memory_space<semaphore_mem>>) src(%dma_wait3A_558 : memref<128x64xf32, #tpu.memory_space<vmem>>) dst(%dma_wait3A_554 : memref<128x64xf32, #tpu.memory_space<hbm>>)
      %dma_start3A_559 = arith.constant 12 : i32
      %dma_start3A_560 = arith.constant 0 : i32
      %dma_start3A_561 = arith.constant 0 : i32
      %dma_start3A_562 = arith.constant 0 : i32
      %dma_start3A_563 = tpu.memref_slice %arg6[%dma_start3A_560, %dma_start3A_561, %dma_start3A_562] : memref<4x128x64xf32, #tpu.memory_space<vmem>> -> memref<1x128x64xf32, #tpu.memory_space<vmem>>
      %dma_start3A_564 = tpu.memref_squeeze %dma_start3A_563 : memref<1x128x64xf32, #tpu.memory_space<vmem>> -> memref<128x64xf32, #tpu.memory_space<vmem>>
      %dma_start3A_565 = arith.constant 0 : i32
      %dma_start3A_566 = tpu.memref_slice %arg5[%dma_start3A_559, %dma_start3A_565] : memref<20x128xi32, #tpu.memory_space<vmem>> -> memref<1x128xi32, #tpu.memory_space<vmem>>
      %dma_start3A_567 = tpu.memref_squeeze %dma_start3A_566 : memref<1x128xi32, #tpu.memory_space<vmem>> -> memref<128xi32, #tpu.memory_space<vmem>>
      %dma_start3A_568 = arith.constant 0 : i32
      %dma_start3A_569 = arith.constant 0 : i32
      %dma_start3A_570 = tpu.memref_slice %arg3[%dma_start3A_568, %dma_start3A_569] : memref<1000000x64xf32, #tpu.memory_space<hbm>> -> memref<1000000x64xf32, #tpu.memory_space<hbm>>
      tpu.enqueue_indirect_dma source(%dma_start3A_570 : memref<1000000x64xf32, #tpu.memory_space<hbm>>) target(%dma_start3A_564 : memref<128x64xf32, #tpu.memory_space<vmem>>) offsets(%dma_start3A_567 : memref<128xi32, #tpu.memory_space<vmem>>) semaphore(%arg7 : memref<!tpu.dma_semaphore, #tpu.memory_space<semaphore_mem>>)
      %mul3A_571 = arith.constant 20 : i32
      %mul3A_572 = arith.muli %scan3A_8, %mul3A_571 : i32
      %add3A_573 = arith.addi %mul3A_2, %mul3A_572 : i32
      %add3A_574 = arith.constant 9 : i32
      %add3A_575 = arith.addi %add3A_573, %add3A_574 : i32
      %mul3A_576 = arith.constant 128 : i32
      %mul3A_577 = arith.muli %add3A_575, %mul3A_576 : i32
      %dma_wait3A_578 = arith.constant 9 : i32
      %dma_wait3A_579 = arith.constant 1 : i32
      %dma_wait3A_580 = arith.constant 0 : i32
      %dma_wait3A_581 = arith.constant 0 : i32
      %dma_wait3A_582 = tpu.memref_slice %arg6[%dma_wait3A_579, %dma_wait3A_580, %dma_wait3A_581] : memref<4x128x64xf32, #tpu.memory_space<vmem>> -> memref<1x128x64xf32, #tpu.memory_space<vmem>>
      %dma_wait3A_583 = tpu.memref_squeeze %dma_wait3A_582 : memref<1x128x64xf32, #tpu.memory_space<vmem>> -> memref<128x64xf32, #tpu.memory_space<vmem>>
      %dma_wait3A_584 = arith.constant 0 : i32
      %dma_wait3A_585 = tpu.memref_slice %arg5[%dma_wait3A_578, %dma_wait3A_584] : memref<20x128xi32, #tpu.memory_space<vmem>> -> memref<1x128xi32, #tpu.memory_space<vmem>>
      %dma_wait3A_586 = tpu.memref_squeeze %dma_wait3A_585 : memref<1x128xi32, #tpu.memory_space<vmem>> -> memref<128xi32, #tpu.memory_space<vmem>>
      %dma_wait3A_587 = arith.constant 0 : i32
      %dma_wait3A_588 = arith.constant 0 : i32
      %dma_wait3A_589 = tpu.memref_slice %arg3[%dma_wait3A_587, %dma_wait3A_588] : memref<1000000x64xf32, #tpu.memory_space<hbm>> -> memref<1000000x64xf32, #tpu.memory_space<hbm>>
      tpu.wait_indirect_dma semaphore(%arg8 : memref<!tpu.dma_semaphore, #tpu.memory_space<semaphore_mem>>) src(%dma_wait3A_589 : memref<1000000x64xf32, #tpu.memory_space<hbm>>) dst(%dma_wait3A_583 : memref<128x64xf32, #tpu.memory_space<vmem>>)
      %dma_start3A_590 = arith.constant 1 : i32
      %dma_start3A_591 = arith.constant 0 : i32
      %dma_start3A_592 = arith.constant 0 : i32
      %dma_start3A_593 = tpu.memref_slice %arg6[%dma_start3A_590, %dma_start3A_591, %dma_start3A_592] : memref<4x128x64xf32, #tpu.memory_space<vmem>> -> memref<1x128x64xf32, #tpu.memory_space<vmem>>
      %dma_start3A_594 = tpu.memref_squeeze %dma_start3A_593 : memref<1x128x64xf32, #tpu.memory_space<vmem>> -> memref<128x64xf32, #tpu.memory_space<vmem>>
      %dma_start3A_595 = arith.constant 0 : i32
      %dma_start3A_596 = tpu.memref_slice %arg4[%mul3A_577, %dma_start3A_595] : memref<819200x64xf32, #tpu.memory_space<hbm>> -> memref<128x64xf32, #tpu.memory_space<hbm>>
      %dma_start3A_597 = arith.constant 0 : i32
      %dma_start3A_598 = tpu.memref_slice %arg4[%mul3A_577, %dma_start3A_597] : memref<819200x64xf32, #tpu.memory_space<hbm>> -> memref<128x64xf32, #tpu.memory_space<hbm>>
      %dma_start3A_599 = arith.constant 0 : i32
      %dma_start3A_600 = arith.constant 0 : i32
      %dma_start3A_601 = tpu.memref_slice %arg6[%dma_start3A_590, %dma_start3A_599, %dma_start3A_600] : memref<4x128x64xf32, #tpu.memory_space<vmem>> -> memref<1x128x64xf32, #tpu.memory_space<vmem>>
      %dma_start3A_602 = tpu.memref_squeeze %dma_start3A_601 : memref<1x128x64xf32, #tpu.memory_space<vmem>> -> memref<128x64xf32, #tpu.memory_space<vmem>>
      tpu.enqueue_dma source(%dma_start3A_602 : memref<128x64xf32, #tpu.memory_space<vmem>>) target(%dma_start3A_598 : memref<128x64xf32, #tpu.memory_space<hbm>>) target_semaphore(%arg12 : memref<!tpu.dma_semaphore, #tpu.memory_space<semaphore_mem>>)
      %dma_wait3A_603 = arith.constant 1 : i32
      %dma_wait3A_604 = arith.constant 0 : i32
      %dma_wait3A_605 = arith.constant 0 : i32
      %dma_wait3A_606 = tpu.memref_slice %arg6[%dma_wait3A_603, %dma_wait3A_604, %dma_wait3A_605] : memref<4x128x64xf32, #tpu.memory_space<vmem>> -> memref<1x128x64xf32, #tpu.memory_space<vmem>>
      %dma_wait3A_607 = tpu.memref_squeeze %dma_wait3A_606 : memref<1x128x64xf32, #tpu.memory_space<vmem>> -> memref<128x64xf32, #tpu.memory_space<vmem>>
      %dma_wait3A_608 = arith.constant 0 : i32
      %dma_wait3A_609 = tpu.memref_slice %arg4[%mul3A_577, %dma_wait3A_608] : memref<819200x64xf32, #tpu.memory_space<hbm>> -> memref<128x64xf32, #tpu.memory_space<hbm>>
      %dma_wait3A_610 = arith.constant 0 : i32
      %dma_wait3A_611 = tpu.memref_slice %arg4[%mul3A_577, %dma_wait3A_610] : memref<819200x64xf32, #tpu.memory_space<hbm>> -> memref<128x64xf32, #tpu.memory_space<hbm>>
      %dma_wait3A_612 = arith.constant 0 : i32
      %dma_wait3A_613 = arith.constant 0 : i32
      %dma_wait3A_614 = tpu.memref_slice %arg6[%dma_wait3A_603, %dma_wait3A_612, %dma_wait3A_613] : memref<4x128x64xf32, #tpu.memory_space<vmem>> -> memref<1x128x64xf32, #tpu.memory_space<vmem>>
      %dma_wait3A_615 = tpu.memref_squeeze %dma_wait3A_614 : memref<1x128x64xf32, #tpu.memory_space<vmem>> -> memref<128x64xf32, #tpu.memory_space<vmem>>
      tpu.wait_dma2 semaphore(%arg12 : memref<!tpu.dma_semaphore, #tpu.memory_space<semaphore_mem>>) src(%dma_wait3A_615 : memref<128x64xf32, #tpu.memory_space<vmem>>) dst(%dma_wait3A_611 : memref<128x64xf32, #tpu.memory_space<hbm>>)
      %dma_start3A_616 = arith.constant 13 : i32
      %dma_start3A_617 = arith.constant 1 : i32
      %dma_start3A_618 = arith.constant 0 : i32
      %dma_start3A_619 = arith.constant 0 : i32
      %dma_start3A_620 = tpu.memref_slice %arg6[%dma_start3A_617, %dma_start3A_618, %dma_start3A_619] : memref<4x128x64xf32, #tpu.memory_space<vmem>> -> memref<1x128x64xf32, #tpu.memory_space<vmem>>
      %dma_start3A_621 = tpu.memref_squeeze %dma_start3A_620 : memref<1x128x64xf32, #tpu.memory_space<vmem>> -> memref<128x64xf32, #tpu.memory_space<vmem>>
      %dma_start3A_622 = arith.constant 0 : i32
      %dma_start3A_623 = tpu.memref_slice %arg5[%dma_start3A_616, %dma_start3A_622] : memref<20x128xi32, #tpu.memory_space<vmem>> -> memref<1x128xi32, #tpu.memory_space<vmem>>
      %dma_start3A_624 = tpu.memref_squeeze %dma_start3A_623 : memref<1x128xi32, #tpu.memory_space<vmem>> -> memref<128xi32, #tpu.memory_space<vmem>>
      %dma_start3A_625 = arith.constant 0 : i32
      %dma_start3A_626 = arith.constant 0 : i32
      %dma_start3A_627 = tpu.memref_slice %arg3[%dma_start3A_625, %dma_start3A_626] : memref<1000000x64xf32, #tpu.memory_space<hbm>> -> memref<1000000x64xf32, #tpu.memory_space<hbm>>
      tpu.enqueue_indirect_dma source(%dma_start3A_627 : memref<1000000x64xf32, #tpu.memory_space<hbm>>) target(%dma_start3A_621 : memref<128x64xf32, #tpu.memory_space<vmem>>) offsets(%dma_start3A_624 : memref<128xi32, #tpu.memory_space<vmem>>) semaphore(%arg8 : memref<!tpu.dma_semaphore, #tpu.memory_space<semaphore_mem>>)
      %mul3A_628 = arith.constant 20 : i32
      %mul3A_629 = arith.muli %scan3A_8, %mul3A_628 : i32
      %add3A_630 = arith.addi %mul3A_2, %mul3A_629 : i32
      %add3A_631 = arith.constant 10 : i32
      %add3A_632 = arith.addi %add3A_630, %add3A_631 : i32
      %mul3A_633 = arith.constant 128 : i32
      %mul3A_634 = arith.muli %add3A_632, %mul3A_633 : i32
      %dma_wait3A_635 = arith.constant 10 : i32
      %dma_wait3A_636 = arith.constant 2 : i32
      %dma_wait3A_637 = arith.constant 0 : i32
      %dma_wait3A_638 = arith.constant 0 : i32
      %dma_wait3A_639 = tpu.memref_slice %arg6[%dma_wait3A_636, %dma_wait3A_637, %dma_wait3A_638] : memref<4x128x64xf32, #tpu.memory_space<vmem>> -> memref<1x128x64xf32, #tpu.memory_space<vmem>>
      %dma_wait3A_640 = tpu.memref_squeeze %dma_wait3A_639 : memref<1x128x64xf32, #tpu.memory_space<vmem>> -> memref<128x64xf32, #tpu.memory_space<vmem>>
      %dma_wait3A_641 = arith.constant 0 : i32
      %dma_wait3A_642 = tpu.memref_slice %arg5[%dma_wait3A_635, %dma_wait3A_641] : memref<20x128xi32, #tpu.memory_space<vmem>> -> memref<1x128xi32, #tpu.memory_space<vmem>>
      %dma_wait3A_643 = tpu.memref_squeeze %dma_wait3A_642 : memref<1x128xi32, #tpu.memory_space<vmem>> -> memref<128xi32, #tpu.memory_space<vmem>>
      %dma_wait3A_644 = arith.constant 0 : i32
      %dma_wait3A_645 = arith.constant 0 : i32
      %dma_wait3A_646 = tpu.memref_slice %arg3[%dma_wait3A_644, %dma_wait3A_645] : memref<1000000x64xf32, #tpu.memory_space<hbm>> -> memref<1000000x64xf32, #tpu.memory_space<hbm>>
      tpu.wait_indirect_dma semaphore(%arg9 : memref<!tpu.dma_semaphore, #tpu.memory_space<semaphore_mem>>) src(%dma_wait3A_646 : memref<1000000x64xf32, #tpu.memory_space<hbm>>) dst(%dma_wait3A_640 : memref<128x64xf32, #tpu.memory_space<vmem>>)
      %dma_start3A_647 = arith.constant 2 : i32
      %dma_start3A_648 = arith.constant 0 : i32
      %dma_start3A_649 = arith.constant 0 : i32
      %dma_start3A_650 = tpu.memref_slice %arg6[%dma_start3A_647, %dma_start3A_648, %dma_start3A_649] : memref<4x128x64xf32, #tpu.memory_space<vmem>> -> memref<1x128x64xf32, #tpu.memory_space<vmem>>
      %dma_start3A_651 = tpu.memref_squeeze %dma_start3A_650 : memref<1x128x64xf32, #tpu.memory_space<vmem>> -> memref<128x64xf32, #tpu.memory_space<vmem>>
      %dma_start3A_652 = arith.constant 0 : i32
      %dma_start3A_653 = tpu.memref_slice %arg4[%mul3A_634, %dma_start3A_652] : memref<819200x64xf32, #tpu.memory_space<hbm>> -> memref<128x64xf32, #tpu.memory_space<hbm>>
      %dma_start3A_654 = arith.constant 0 : i32
      %dma_start3A_655 = tpu.memref_slice %arg4[%mul3A_634, %dma_start3A_654] : memref<819200x64xf32, #tpu.memory_space<hbm>> -> memref<128x64xf32, #tpu.memory_space<hbm>>
      %dma_start3A_656 = arith.constant 0 : i32
      %dma_start3A_657 = arith.constant 0 : i32
      %dma_start3A_658 = tpu.memref_slice %arg6[%dma_start3A_647, %dma_start3A_656, %dma_start3A_657] : memref<4x128x64xf32, #tpu.memory_space<vmem>> -> memref<1x128x64xf32, #tpu.memory_space<vmem>>
      %dma_start3A_659 = tpu.memref_squeeze %dma_start3A_658 : memref<1x128x64xf32, #tpu.memory_space<vmem>> -> memref<128x64xf32, #tpu.memory_space<vmem>>
      tpu.enqueue_dma source(%dma_start3A_659 : memref<128x64xf32, #tpu.memory_space<vmem>>) target(%dma_start3A_655 : memref<128x64xf32, #tpu.memory_space<hbm>>) target_semaphore(%arg13 : memref<!tpu.dma_semaphore, #tpu.memory_space<semaphore_mem>>)
      %dma_wait3A_660 = arith.constant 2 : i32
      %dma_wait3A_661 = arith.constant 0 : i32
      %dma_wait3A_662 = arith.constant 0 : i32
      %dma_wait3A_663 = tpu.memref_slice %arg6[%dma_wait3A_660, %dma_wait3A_661, %dma_wait3A_662] : memref<4x128x64xf32, #tpu.memory_space<vmem>> -> memref<1x128x64xf32, #tpu.memory_space<vmem>>
      %dma_wait3A_664 = tpu.memref_squeeze %dma_wait3A_663 : memref<1x128x64xf32, #tpu.memory_space<vmem>> -> memref<128x64xf32, #tpu.memory_space<vmem>>
      %dma_wait3A_665 = arith.constant 0 : i32
      %dma_wait3A_666 = tpu.memref_slice %arg4[%mul3A_634, %dma_wait3A_665] : memref<819200x64xf32, #tpu.memory_space<hbm>> -> memref<128x64xf32, #tpu.memory_space<hbm>>
      %dma_wait3A_667 = arith.constant 0 : i32
      %dma_wait3A_668 = tpu.memref_slice %arg4[%mul3A_634, %dma_wait3A_667] : memref<819200x64xf32, #tpu.memory_space<hbm>> -> memref<128x64xf32, #tpu.memory_space<hbm>>
      %dma_wait3A_669 = arith.constant 0 : i32
      %dma_wait3A_670 = arith.constant 0 : i32
      %dma_wait3A_671 = tpu.memref_slice %arg6[%dma_wait3A_660, %dma_wait3A_669, %dma_wait3A_670] : memref<4x128x64xf32, #tpu.memory_space<vmem>> -> memref<1x128x64xf32, #tpu.memory_space<vmem>>
      %dma_wait3A_672 = tpu.memref_squeeze %dma_wait3A_671 : memref<1x128x64xf32, #tpu.memory_space<vmem>> -> memref<128x64xf32, #tpu.memory_space<vmem>>
      tpu.wait_dma2 semaphore(%arg13 : memref<!tpu.dma_semaphore, #tpu.memory_space<semaphore_mem>>) src(%dma_wait3A_672 : memref<128x64xf32, #tpu.memory_space<vmem>>) dst(%dma_wait3A_668 : memref<128x64xf32, #tpu.memory_space<hbm>>)
      %dma_start3A_673 = arith.constant 14 : i32
      %dma_start3A_674 = arith.constant 2 : i32
      %dma_start3A_675 = arith.constant 0 : i32
      %dma_start3A_676 = arith.constant 0 : i32
      %dma_start3A_677 = tpu.memref_slice %arg6[%dma_start3A_674, %dma_start3A_675, %dma_start3A_676] : memref<4x128x64xf32, #tpu.memory_space<vmem>> -> memref<1x128x64xf32, #tpu.memory_space<vmem>>
      %dma_start3A_678 = tpu.memref_squeeze %dma_start3A_677 : memref<1x128x64xf32, #tpu.memory_space<vmem>> -> memref<128x64xf32, #tpu.memory_space<vmem>>
      %dma_start3A_679 = arith.constant 0 : i32
      %dma_start3A_680 = tpu.memref_slice %arg5[%dma_start3A_673, %dma_start3A_679] : memref<20x128xi32, #tpu.memory_space<vmem>> -> memref<1x128xi32, #tpu.memory_space<vmem>>
      %dma_start3A_681 = tpu.memref_squeeze %dma_start3A_680 : memref<1x128xi32, #tpu.memory_space<vmem>> -> memref<128xi32, #tpu.memory_space<vmem>>
      %dma_start3A_682 = arith.constant 0 : i32
      %dma_start3A_683 = arith.constant 0 : i32
      %dma_start3A_684 = tpu.memref_slice %arg3[%dma_start3A_682, %dma_start3A_683] : memref<1000000x64xf32, #tpu.memory_space<hbm>> -> memref<1000000x64xf32, #tpu.memory_space<hbm>>
      tpu.enqueue_indirect_dma source(%dma_start3A_684 : memref<1000000x64xf32, #tpu.memory_space<hbm>>) target(%dma_start3A_678 : memref<128x64xf32, #tpu.memory_space<vmem>>) offsets(%dma_start3A_681 : memref<128xi32, #tpu.memory_space<vmem>>) semaphore(%arg9 : memref<!tpu.dma_semaphore, #tpu.memory_space<semaphore_mem>>)
      %mul3A_685 = arith.constant 20 : i32
      %mul3A_686 = arith.muli %scan3A_8, %mul3A_685 : i32
      %add3A_687 = arith.addi %mul3A_2, %mul3A_686 : i32
      %add3A_688 = arith.constant 11 : i32
      %add3A_689 = arith.addi %add3A_687, %add3A_688 : i32
      %mul3A_690 = arith.constant 128 : i32
      %mul3A_691 = arith.muli %add3A_689, %mul3A_690 : i32
      %dma_wait3A_692 = arith.constant 11 : i32
      %dma_wait3A_693 = arith.constant 3 : i32
      %dma_wait3A_694 = arith.constant 0 : i32
      %dma_wait3A_695 = arith.constant 0 : i32
      %dma_wait3A_696 = tpu.memref_slice %arg6[%dma_wait3A_693, %dma_wait3A_694, %dma_wait3A_695] : memref<4x128x64xf32, #tpu.memory_space<vmem>> -> memref<1x128x64xf32, #tpu.memory_space<vmem>>
      %dma_wait3A_697 = tpu.memref_squeeze %dma_wait3A_696 : memref<1x128x64xf32, #tpu.memory_space<vmem>> -> memref<128x64xf32, #tpu.memory_space<vmem>>
      %dma_wait3A_698 = arith.constant 0 : i32
      %dma_wait3A_699 = tpu.memref_slice %arg5[%dma_wait3A_692, %dma_wait3A_698] : memref<20x128xi32, #tpu.memory_space<vmem>> -> memref<1x128xi32, #tpu.memory_space<vmem>>
      %dma_wait3A_700 = tpu.memref_squeeze %dma_wait3A_699 : memref<1x128xi32, #tpu.memory_space<vmem>> -> memref<128xi32, #tpu.memory_space<vmem>>
      %dma_wait3A_701 = arith.constant 0 : i32
      %dma_wait3A_702 = arith.constant 0 : i32
      %dma_wait3A_703 = tpu.memref_slice %arg3[%dma_wait3A_701, %dma_wait3A_702] : memref<1000000x64xf32, #tpu.memory_space<hbm>> -> memref<1000000x64xf32, #tpu.memory_space<hbm>>
      tpu.wait_indirect_dma semaphore(%arg10 : memref<!tpu.dma_semaphore, #tpu.memory_space<semaphore_mem>>) src(%dma_wait3A_703 : memref<1000000x64xf32, #tpu.memory_space<hbm>>) dst(%dma_wait3A_697 : memref<128x64xf32, #tpu.memory_space<vmem>>)
      %dma_start3A_704 = arith.constant 3 : i32
      %dma_start3A_705 = arith.constant 0 : i32
      %dma_start3A_706 = arith.constant 0 : i32
      %dma_start3A_707 = tpu.memref_slice %arg6[%dma_start3A_704, %dma_start3A_705, %dma_start3A_706] : memref<4x128x64xf32, #tpu.memory_space<vmem>> -> memref<1x128x64xf32, #tpu.memory_space<vmem>>
      %dma_start3A_708 = tpu.memref_squeeze %dma_start3A_707 : memref<1x128x64xf32, #tpu.memory_space<vmem>> -> memref<128x64xf32, #tpu.memory_space<vmem>>
      %dma_start3A_709 = arith.constant 0 : i32
      %dma_start3A_710 = tpu.memref_slice %arg4[%mul3A_691, %dma_start3A_709] : memref<819200x64xf32, #tpu.memory_space<hbm>> -> memref<128x64xf32, #tpu.memory_space<hbm>>
      %dma_start3A_711 = arith.constant 0 : i32
      %dma_start3A_712 = tpu.memref_slice %arg4[%mul3A_691, %dma_start3A_711] : memref<819200x64xf32, #tpu.memory_space<hbm>> -> memref<128x64xf32, #tpu.memory_space<hbm>>
      %dma_start3A_713 = arith.constant 0 : i32
      %dma_start3A_714 = arith.constant 0 : i32
      %dma_start3A_715 = tpu.memref_slice %arg6[%dma_start3A_704, %dma_start3A_713, %dma_start3A_714] : memref<4x128x64xf32, #tpu.memory_space<vmem>> -> memref<1x128x64xf32, #tpu.memory_space<vmem>>
      %dma_start3A_716 = tpu.memref_squeeze %dma_start3A_715 : memref<1x128x64xf32, #tpu.memory_space<vmem>> -> memref<128x64xf32, #tpu.memory_space<vmem>>
      tpu.enqueue_dma source(%dma_start3A_716 : memref<128x64xf32, #tpu.memory_space<vmem>>) target(%dma_start3A_712 : memref<128x64xf32, #tpu.memory_space<hbm>>) target_semaphore(%arg14 : memref<!tpu.dma_semaphore, #tpu.memory_space<semaphore_mem>>)
      %dma_wait3A_717 = arith.constant 3 : i32
      %dma_wait3A_718 = arith.constant 0 : i32
      %dma_wait3A_719 = arith.constant 0 : i32
      %dma_wait3A_720 = tpu.memref_slice %arg6[%dma_wait3A_717, %dma_wait3A_718, %dma_wait3A_719] : memref<4x128x64xf32, #tpu.memory_space<vmem>> -> memref<1x128x64xf32, #tpu.memory_space<vmem>>
      %dma_wait3A_721 = tpu.memref_squeeze %dma_wait3A_720 : memref<1x128x64xf32, #tpu.memory_space<vmem>> -> memref<128x64xf32, #tpu.memory_space<vmem>>
      %dma_wait3A_722 = arith.constant 0 : i32
      %dma_wait3A_723 = tpu.memref_slice %arg4[%mul3A_691, %dma_wait3A_722] : memref<819200x64xf32, #tpu.memory_space<hbm>> -> memref<128x64xf32, #tpu.memory_space<hbm>>
      %dma_wait3A_724 = arith.constant 0 : i32
      %dma_wait3A_725 = tpu.memref_slice %arg4[%mul3A_691, %dma_wait3A_724] : memref<819200x64xf32, #tpu.memory_space<hbm>> -> memref<128x64xf32, #tpu.memory_space<hbm>>
      %dma_wait3A_726 = arith.constant 0 : i32
      %dma_wait3A_727 = arith.constant 0 : i32
      %dma_wait3A_728 = tpu.memref_slice %arg6[%dma_wait3A_717, %dma_wait3A_726, %dma_wait3A_727] : memref<4x128x64xf32, #tpu.memory_space<vmem>> -> memref<1x128x64xf32, #tpu.memory_space<vmem>>
      %dma_wait3A_729 = tpu.memref_squeeze %dma_wait3A_728 : memref<1x128x64xf32, #tpu.memory_space<vmem>> -> memref<128x64xf32, #tpu.memory_space<vmem>>
      tpu.wait_dma2 semaphore(%arg14 : memref<!tpu.dma_semaphore, #tpu.memory_space<semaphore_mem>>) src(%dma_wait3A_729 : memref<128x64xf32, #tpu.memory_space<vmem>>) dst(%dma_wait3A_725 : memref<128x64xf32, #tpu.memory_space<hbm>>)
      %dma_start3A_730 = arith.constant 15 : i32
      %dma_start3A_731 = arith.constant 3 : i32
      %dma_start3A_732 = arith.constant 0 : i32
      %dma_start3A_733 = arith.constant 0 : i32
      %dma_start3A_734 = tpu.memref_slice %arg6[%dma_start3A_731, %dma_start3A_732, %dma_start3A_733] : memref<4x128x64xf32, #tpu.memory_space<vmem>> -> memref<1x128x64xf32, #tpu.memory_space<vmem>>
      %dma_start3A_735 = tpu.memref_squeeze %dma_start3A_734 : memref<1x128x64xf32, #tpu.memory_space<vmem>> -> memref<128x64xf32, #tpu.memory_space<vmem>>
      %dma_start3A_736 = arith.constant 0 : i32
      %dma_start3A_737 = tpu.memref_slice %arg5[%dma_start3A_730, %dma_start3A_736] : memref<20x128xi32, #tpu.memory_space<vmem>> -> memref<1x128xi32, #tpu.memory_space<vmem>>
      %dma_start3A_738 = tpu.memref_squeeze %dma_start3A_737 : memref<1x128xi32, #tpu.memory_space<vmem>> -> memref<128xi32, #tpu.memory_space<vmem>>
      %dma_start3A_739 = arith.constant 0 : i32
      %dma_start3A_740 = arith.constant 0 : i32
      %dma_start3A_741 = tpu.memref_slice %arg3[%dma_start3A_739, %dma_start3A_740] : memref<1000000x64xf32, #tpu.memory_space<hbm>> -> memref<1000000x64xf32, #tpu.memory_space<hbm>>
      tpu.enqueue_indirect_dma source(%dma_start3A_741 : memref<1000000x64xf32, #tpu.memory_space<hbm>>) target(%dma_start3A_735 : memref<128x64xf32, #tpu.memory_space<vmem>>) offsets(%dma_start3A_738 : memref<128xi32, #tpu.memory_space<vmem>>) semaphore(%arg10 : memref<!tpu.dma_semaphore, #tpu.memory_space<semaphore_mem>>)
      %mul3A_742 = arith.constant 20 : i32
      %mul3A_743 = arith.muli %scan3A_8, %mul3A_742 : i32
      %add3A_744 = arith.addi %mul3A_2, %mul3A_743 : i32
      %add3A_745 = arith.constant 12 : i32
      %add3A_746 = arith.addi %add3A_744, %add3A_745 : i32
      %mul3A_747 = arith.constant 128 : i32
      %mul3A_748 = arith.muli %add3A_746, %mul3A_747 : i32
      %dma_wait3A_749 = arith.constant 12 : i32
      %dma_wait3A_750 = arith.constant 0 : i32
      %dma_wait3A_751 = arith.constant 0 : i32
      %dma_wait3A_752 = arith.constant 0 : i32
      %dma_wait3A_753 = tpu.memref_slice %arg6[%dma_wait3A_750, %dma_wait3A_751, %dma_wait3A_752] : memref<4x128x64xf32, #tpu.memory_space<vmem>> -> memref<1x128x64xf32, #tpu.memory_space<vmem>>
      %dma_wait3A_754 = tpu.memref_squeeze %dma_wait3A_753 : memref<1x128x64xf32, #tpu.memory_space<vmem>> -> memref<128x64xf32, #tpu.memory_space<vmem>>
      %dma_wait3A_755 = arith.constant 0 : i32
      %dma_wait3A_756 = tpu.memref_slice %arg5[%dma_wait3A_749, %dma_wait3A_755] : memref<20x128xi32, #tpu.memory_space<vmem>> -> memref<1x128xi32, #tpu.memory_space<vmem>>
      %dma_wait3A_757 = tpu.memref_squeeze %dma_wait3A_756 : memref<1x128xi32, #tpu.memory_space<vmem>> -> memref<128xi32, #tpu.memory_space<vmem>>
      %dma_wait3A_758 = arith.constant 0 : i32
      %dma_wait3A_759 = arith.constant 0 : i32
      %dma_wait3A_760 = tpu.memref_slice %arg3[%dma_wait3A_758, %dma_wait3A_759] : memref<1000000x64xf32, #tpu.memory_space<hbm>> -> memref<1000000x64xf32, #tpu.memory_space<hbm>>
      tpu.wait_indirect_dma semaphore(%arg7 : memref<!tpu.dma_semaphore, #tpu.memory_space<semaphore_mem>>) src(%dma_wait3A_760 : memref<1000000x64xf32, #tpu.memory_space<hbm>>) dst(%dma_wait3A_754 : memref<128x64xf32, #tpu.memory_space<vmem>>)
      %dma_start3A_761 = arith.constant 0 : i32
      %dma_start3A_762 = arith.constant 0 : i32
      %dma_start3A_763 = arith.constant 0 : i32
      %dma_start3A_764 = tpu.memref_slice %arg6[%dma_start3A_761, %dma_start3A_762, %dma_start3A_763] : memref<4x128x64xf32, #tpu.memory_space<vmem>> -> memref<1x128x64xf32, #tpu.memory_space<vmem>>
      %dma_start3A_765 = tpu.memref_squeeze %dma_start3A_764 : memref<1x128x64xf32, #tpu.memory_space<vmem>> -> memref<128x64xf32, #tpu.memory_space<vmem>>
      %dma_start3A_766 = arith.constant 0 : i32
      %dma_start3A_767 = tpu.memref_slice %arg4[%mul3A_748, %dma_start3A_766] : memref<819200x64xf32, #tpu.memory_space<hbm>> -> memref<128x64xf32, #tpu.memory_space<hbm>>
      %dma_start3A_768 = arith.constant 0 : i32
      %dma_start3A_769 = tpu.memref_slice %arg4[%mul3A_748, %dma_start3A_768] : memref<819200x64xf32, #tpu.memory_space<hbm>> -> memref<128x64xf32, #tpu.memory_space<hbm>>
      %dma_start3A_770 = arith.constant 0 : i32
      %dma_start3A_771 = arith.constant 0 : i32
      %dma_start3A_772 = tpu.memref_slice %arg6[%dma_start3A_761, %dma_start3A_770, %dma_start3A_771] : memref<4x128x64xf32, #tpu.memory_space<vmem>> -> memref<1x128x64xf32, #tpu.memory_space<vmem>>
      %dma_start3A_773 = tpu.memref_squeeze %dma_start3A_772 : memref<1x128x64xf32, #tpu.memory_space<vmem>> -> memref<128x64xf32, #tpu.memory_space<vmem>>
      tpu.enqueue_dma source(%dma_start3A_773 : memref<128x64xf32, #tpu.memory_space<vmem>>) target(%dma_start3A_769 : memref<128x64xf32, #tpu.memory_space<hbm>>) target_semaphore(%arg11 : memref<!tpu.dma_semaphore, #tpu.memory_space<semaphore_mem>>)
      %dma_wait3A_774 = arith.constant 0 : i32
      %dma_wait3A_775 = arith.constant 0 : i32
      %dma_wait3A_776 = arith.constant 0 : i32
      %dma_wait3A_777 = tpu.memref_slice %arg6[%dma_wait3A_774, %dma_wait3A_775, %dma_wait3A_776] : memref<4x128x64xf32, #tpu.memory_space<vmem>> -> memref<1x128x64xf32, #tpu.memory_space<vmem>>
      %dma_wait3A_778 = tpu.memref_squeeze %dma_wait3A_777 : memref<1x128x64xf32, #tpu.memory_space<vmem>> -> memref<128x64xf32, #tpu.memory_space<vmem>>
      %dma_wait3A_779 = arith.constant 0 : i32
      %dma_wait3A_780 = tpu.memref_slice %arg4[%mul3A_748, %dma_wait3A_779] : memref<819200x64xf32, #tpu.memory_space<hbm>> -> memref<128x64xf32, #tpu.memory_space<hbm>>
      %dma_wait3A_781 = arith.constant 0 : i32
      %dma_wait3A_782 = tpu.memref_slice %arg4[%mul3A_748, %dma_wait3A_781] : memref<819200x64xf32, #tpu.memory_space<hbm>> -> memref<128x64xf32, #tpu.memory_space<hbm>>
      %dma_wait3A_783 = arith.constant 0 : i32
      %dma_wait3A_784 = arith.constant 0 : i32
      %dma_wait3A_785 = tpu.memref_slice %arg6[%dma_wait3A_774, %dma_wait3A_783, %dma_wait3A_784] : memref<4x128x64xf32, #tpu.memory_space<vmem>> -> memref<1x128x64xf32, #tpu.memory_space<vmem>>
      %dma_wait3A_786 = tpu.memref_squeeze %dma_wait3A_785 : memref<1x128x64xf32, #tpu.memory_space<vmem>> -> memref<128x64xf32, #tpu.memory_space<vmem>>
      tpu.wait_dma2 semaphore(%arg11 : memref<!tpu.dma_semaphore, #tpu.memory_space<semaphore_mem>>) src(%dma_wait3A_786 : memref<128x64xf32, #tpu.memory_space<vmem>>) dst(%dma_wait3A_782 : memref<128x64xf32, #tpu.memory_space<hbm>>)
      %dma_start3A_787 = arith.constant 16 : i32
      %dma_start3A_788 = arith.constant 0 : i32
      %dma_start3A_789 = arith.constant 0 : i32
      %dma_start3A_790 = arith.constant 0 : i32
      %dma_start3A_791 = tpu.memref_slice %arg6[%dma_start3A_788, %dma_start3A_789, %dma_start3A_790] : memref<4x128x64xf32, #tpu.memory_space<vmem>> -> memref<1x128x64xf32, #tpu.memory_space<vmem>>
      %dma_start3A_792 = tpu.memref_squeeze %dma_start3A_791 : memref<1x128x64xf32, #tpu.memory_space<vmem>> -> memref<128x64xf32, #tpu.memory_space<vmem>>
      %dma_start3A_793 = arith.constant 0 : i32
      %dma_start3A_794 = tpu.memref_slice %arg5[%dma_start3A_787, %dma_start3A_793] : memref<20x128xi32, #tpu.memory_space<vmem>> -> memref<1x128xi32, #tpu.memory_space<vmem>>
      %dma_start3A_795 = tpu.memref_squeeze %dma_start3A_794 : memref<1x128xi32, #tpu.memory_space<vmem>> -> memref<128xi32, #tpu.memory_space<vmem>>
      %dma_start3A_796 = arith.constant 0 : i32
      %dma_start3A_797 = arith.constant 0 : i32
      %dma_start3A_798 = tpu.memref_slice %arg3[%dma_start3A_796, %dma_start3A_797] : memref<1000000x64xf32, #tpu.memory_space<hbm>> -> memref<1000000x64xf32, #tpu.memory_space<hbm>>
      tpu.enqueue_indirect_dma source(%dma_start3A_798 : memref<1000000x64xf32, #tpu.memory_space<hbm>>) target(%dma_start3A_792 : memref<128x64xf32, #tpu.memory_space<vmem>>) offsets(%dma_start3A_795 : memref<128xi32, #tpu.memory_space<vmem>>) semaphore(%arg7 : memref<!tpu.dma_semaphore, #tpu.memory_space<semaphore_mem>>)
      %mul3A_799 = arith.constant 20 : i32
      %mul3A_800 = arith.muli %scan3A_8, %mul3A_799 : i32
      %add3A_801 = arith.addi %mul3A_2, %mul3A_800 : i32
      %add3A_802 = arith.constant 13 : i32
      %add3A_803 = arith.addi %add3A_801, %add3A_802 : i32
      %mul3A_804 = arith.constant 128 : i32
      %mul3A_805 = arith.muli %add3A_803, %mul3A_804 : i32
      %dma_wait3A_806 = arith.constant 13 : i32
      %dma_wait3A_807 = arith.constant 1 : i32
      %dma_wait3A_808 = arith.constant 0 : i32
      %dma_wait3A_809 = arith.constant 0 : i32
      %dma_wait3A_810 = tpu.memref_slice %arg6[%dma_wait3A_807, %dma_wait3A_808, %dma_wait3A_809] : memref<4x128x64xf32, #tpu.memory_space<vmem>> -> memref<1x128x64xf32, #tpu.memory_space<vmem>>
      %dma_wait3A_811 = tpu.memref_squeeze %dma_wait3A_810 : memref<1x128x64xf32, #tpu.memory_space<vmem>> -> memref<128x64xf32, #tpu.memory_space<vmem>>
      %dma_wait3A_812 = arith.constant 0 : i32
      %dma_wait3A_813 = tpu.memref_slice %arg5[%dma_wait3A_806, %dma_wait3A_812] : memref<20x128xi32, #tpu.memory_space<vmem>> -> memref<1x128xi32, #tpu.memory_space<vmem>>
      %dma_wait3A_814 = tpu.memref_squeeze %dma_wait3A_813 : memref<1x128xi32, #tpu.memory_space<vmem>> -> memref<128xi32, #tpu.memory_space<vmem>>
      %dma_wait3A_815 = arith.constant 0 : i32
      %dma_wait3A_816 = arith.constant 0 : i32
      %dma_wait3A_817 = tpu.memref_slice %arg3[%dma_wait3A_815, %dma_wait3A_816] : memref<1000000x64xf32, #tpu.memory_space<hbm>> -> memref<1000000x64xf32, #tpu.memory_space<hbm>>
      tpu.wait_indirect_dma semaphore(%arg8 : memref<!tpu.dma_semaphore, #tpu.memory_space<semaphore_mem>>) src(%dma_wait3A_817 : memref<1000000x64xf32, #tpu.memory_space<hbm>>) dst(%dma_wait3A_811 : memref<128x64xf32, #tpu.memory_space<vmem>>)
      %dma_start3A_818 = arith.constant 1 : i32
      %dma_start3A_819 = arith.constant 0 : i32
      %dma_start3A_820 = arith.constant 0 : i32
      %dma_start3A_821 = tpu.memref_slice %arg6[%dma_start3A_818, %dma_start3A_819, %dma_start3A_820] : memref<4x128x64xf32, #tpu.memory_space<vmem>> -> memref<1x128x64xf32, #tpu.memory_space<vmem>>
      %dma_start3A_822 = tpu.memref_squeeze %dma_start3A_821 : memref<1x128x64xf32, #tpu.memory_space<vmem>> -> memref<128x64xf32, #tpu.memory_space<vmem>>
      %dma_start3A_823 = arith.constant 0 : i32
      %dma_start3A_824 = tpu.memref_slice %arg4[%mul3A_805, %dma_start3A_823] : memref<819200x64xf32, #tpu.memory_space<hbm>> -> memref<128x64xf32, #tpu.memory_space<hbm>>
      %dma_start3A_825 = arith.constant 0 : i32
      %dma_start3A_826 = tpu.memref_slice %arg4[%mul3A_805, %dma_start3A_825] : memref<819200x64xf32, #tpu.memory_space<hbm>> -> memref<128x64xf32, #tpu.memory_space<hbm>>
      %dma_start3A_827 = arith.constant 0 : i32
      %dma_start3A_828 = arith.constant 0 : i32
      %dma_start3A_829 = tpu.memref_slice %arg6[%dma_start3A_818, %dma_start3A_827, %dma_start3A_828] : memref<4x128x64xf32, #tpu.memory_space<vmem>> -> memref<1x128x64xf32, #tpu.memory_space<vmem>>
      %dma_start3A_830 = tpu.memref_squeeze %dma_start3A_829 : memref<1x128x64xf32, #tpu.memory_space<vmem>> -> memref<128x64xf32, #tpu.memory_space<vmem>>
      tpu.enqueue_dma source(%dma_start3A_830 : memref<128x64xf32, #tpu.memory_space<vmem>>) target(%dma_start3A_826 : memref<128x64xf32, #tpu.memory_space<hbm>>) target_semaphore(%arg12 : memref<!tpu.dma_semaphore, #tpu.memory_space<semaphore_mem>>)
      %dma_wait3A_831 = arith.constant 1 : i32
      %dma_wait3A_832 = arith.constant 0 : i32
      %dma_wait3A_833 = arith.constant 0 : i32
      %dma_wait3A_834 = tpu.memref_slice %arg6[%dma_wait3A_831, %dma_wait3A_832, %dma_wait3A_833] : memref<4x128x64xf32, #tpu.memory_space<vmem>> -> memref<1x128x64xf32, #tpu.memory_space<vmem>>
      %dma_wait3A_835 = tpu.memref_squeeze %dma_wait3A_834 : memref<1x128x64xf32, #tpu.memory_space<vmem>> -> memref<128x64xf32, #tpu.memory_space<vmem>>
      %dma_wait3A_836 = arith.constant 0 : i32
      %dma_wait3A_837 = tpu.memref_slice %arg4[%mul3A_805, %dma_wait3A_836] : memref<819200x64xf32, #tpu.memory_space<hbm>> -> memref<128x64xf32, #tpu.memory_space<hbm>>
      %dma_wait3A_838 = arith.constant 0 : i32
      %dma_wait3A_839 = tpu.memref_slice %arg4[%mul3A_805, %dma_wait3A_838] : memref<819200x64xf32, #tpu.memory_space<hbm>> -> memref<128x64xf32, #tpu.memory_space<hbm>>
      %dma_wait3A_840 = arith.constant 0 : i32
      %dma_wait3A_841 = arith.constant 0 : i32
      %dma_wait3A_842 = tpu.memref_slice %arg6[%dma_wait3A_831, %dma_wait3A_840, %dma_wait3A_841] : memref<4x128x64xf32, #tpu.memory_space<vmem>> -> memref<1x128x64xf32, #tpu.memory_space<vmem>>
      %dma_wait3A_843 = tpu.memref_squeeze %dma_wait3A_842 : memref<1x128x64xf32, #tpu.memory_space<vmem>> -> memref<128x64xf32, #tpu.memory_space<vmem>>
      tpu.wait_dma2 semaphore(%arg12 : memref<!tpu.dma_semaphore, #tpu.memory_space<semaphore_mem>>) src(%dma_wait3A_843 : memref<128x64xf32, #tpu.memory_space<vmem>>) dst(%dma_wait3A_839 : memref<128x64xf32, #tpu.memory_space<hbm>>)
      %dma_start3A_844 = arith.constant 17 : i32
      %dma_start3A_845 = arith.constant 1 : i32
      %dma_start3A_846 = arith.constant 0 : i32
      %dma_start3A_847 = arith.constant 0 : i32
      %dma_start3A_848 = tpu.memref_slice %arg6[%dma_start3A_845, %dma_start3A_846, %dma_start3A_847] : memref<4x128x64xf32, #tpu.memory_space<vmem>> -> memref<1x128x64xf32, #tpu.memory_space<vmem>>
      %dma_start3A_849 = tpu.memref_squeeze %dma_start3A_848 : memref<1x128x64xf32, #tpu.memory_space<vmem>> -> memref<128x64xf32, #tpu.memory_space<vmem>>
      %dma_start3A_850 = arith.constant 0 : i32
      %dma_start3A_851 = tpu.memref_slice %arg5[%dma_start3A_844, %dma_start3A_850] : memref<20x128xi32, #tpu.memory_space<vmem>> -> memref<1x128xi32, #tpu.memory_space<vmem>>
      %dma_start3A_852 = tpu.memref_squeeze %dma_start3A_851 : memref<1x128xi32, #tpu.memory_space<vmem>> -> memref<128xi32, #tpu.memory_space<vmem>>
      %dma_start3A_853 = arith.constant 0 : i32
      %dma_start3A_854 = arith.constant 0 : i32
      %dma_start3A_855 = tpu.memref_slice %arg3[%dma_start3A_853, %dma_start3A_854] : memref<1000000x64xf32, #tpu.memory_space<hbm>> -> memref<1000000x64xf32, #tpu.memory_space<hbm>>
      tpu.enqueue_indirect_dma source(%dma_start3A_855 : memref<1000000x64xf32, #tpu.memory_space<hbm>>) target(%dma_start3A_849 : memref<128x64xf32, #tpu.memory_space<vmem>>) offsets(%dma_start3A_852 : memref<128xi32, #tpu.memory_space<vmem>>) semaphore(%arg8 : memref<!tpu.dma_semaphore, #tpu.memory_space<semaphore_mem>>)
      %mul3A_856 = arith.constant 20 : i32
      %mul3A_857 = arith.muli %scan3A_8, %mul3A_856 : i32
      %add3A_858 = arith.addi %mul3A_2, %mul3A_857 : i32
      %add3A_859 = arith.constant 14 : i32
      %add3A_860 = arith.addi %add3A_858, %add3A_859 : i32
      %mul3A_861 = arith.constant 128 : i32
      %mul3A_862 = arith.muli %add3A_860, %mul3A_861 : i32
      %dma_wait3A_863 = arith.constant 14 : i32
      %dma_wait3A_864 = arith.constant 2 : i32
      %dma_wait3A_865 = arith.constant 0 : i32
      %dma_wait3A_866 = arith.constant 0 : i32
      %dma_wait3A_867 = tpu.memref_slice %arg6[%dma_wait3A_864, %dma_wait3A_865, %dma_wait3A_866] : memref<4x128x64xf32, #tpu.memory_space<vmem>> -> memref<1x128x64xf32, #tpu.memory_space<vmem>>
      %dma_wait3A_868 = tpu.memref_squeeze %dma_wait3A_867 : memref<1x128x64xf32, #tpu.memory_space<vmem>> -> memref<128x64xf32, #tpu.memory_space<vmem>>
      %dma_wait3A_869 = arith.constant 0 : i32
      %dma_wait3A_870 = tpu.memref_slice %arg5[%dma_wait3A_863, %dma_wait3A_869] : memref<20x128xi32, #tpu.memory_space<vmem>> -> memref<1x128xi32, #tpu.memory_space<vmem>>
      %dma_wait3A_871 = tpu.memref_squeeze %dma_wait3A_870 : memref<1x128xi32, #tpu.memory_space<vmem>> -> memref<128xi32, #tpu.memory_space<vmem>>
      %dma_wait3A_872 = arith.constant 0 : i32
      %dma_wait3A_873 = arith.constant 0 : i32
      %dma_wait3A_874 = tpu.memref_slice %arg3[%dma_wait3A_872, %dma_wait3A_873] : memref<1000000x64xf32, #tpu.memory_space<hbm>> -> memref<1000000x64xf32, #tpu.memory_space<hbm>>
      tpu.wait_indirect_dma semaphore(%arg9 : memref<!tpu.dma_semaphore, #tpu.memory_space<semaphore_mem>>) src(%dma_wait3A_874 : memref<1000000x64xf32, #tpu.memory_space<hbm>>) dst(%dma_wait3A_868 : memref<128x64xf32, #tpu.memory_space<vmem>>)
      %dma_start3A_875 = arith.constant 2 : i32
      %dma_start3A_876 = arith.constant 0 : i32
      %dma_start3A_877 = arith.constant 0 : i32
      %dma_start3A_878 = tpu.memref_slice %arg6[%dma_start3A_875, %dma_start3A_876, %dma_start3A_877] : memref<4x128x64xf32, #tpu.memory_space<vmem>> -> memref<1x128x64xf32, #tpu.memory_space<vmem>>
      %dma_start3A_879 = tpu.memref_squeeze %dma_start3A_878 : memref<1x128x64xf32, #tpu.memory_space<vmem>> -> memref<128x64xf32, #tpu.memory_space<vmem>>
      %dma_start3A_880 = arith.constant 0 : i32
      %dma_start3A_881 = tpu.memref_slice %arg4[%mul3A_862, %dma_start3A_880] : memref<819200x64xf32, #tpu.memory_space<hbm>> -> memref<128x64xf32, #tpu.memory_space<hbm>>
      %dma_start3A_882 = arith.constant 0 : i32
      %dma_start3A_883 = tpu.memref_slice %arg4[%mul3A_862, %dma_start3A_882] : memref<819200x64xf32, #tpu.memory_space<hbm>> -> memref<128x64xf32, #tpu.memory_space<hbm>>
      %dma_start3A_884 = arith.constant 0 : i32
      %dma_start3A_885 = arith.constant 0 : i32
      %dma_start3A_886 = tpu.memref_slice %arg6[%dma_start3A_875, %dma_start3A_884, %dma_start3A_885] : memref<4x128x64xf32, #tpu.memory_space<vmem>> -> memref<1x128x64xf32, #tpu.memory_space<vmem>>
      %dma_start3A_887 = tpu.memref_squeeze %dma_start3A_886 : memref<1x128x64xf32, #tpu.memory_space<vmem>> -> memref<128x64xf32, #tpu.memory_space<vmem>>
      tpu.enqueue_dma source(%dma_start3A_887 : memref<128x64xf32, #tpu.memory_space<vmem>>) target(%dma_start3A_883 : memref<128x64xf32, #tpu.memory_space<hbm>>) target_semaphore(%arg13 : memref<!tpu.dma_semaphore, #tpu.memory_space<semaphore_mem>>)
      %dma_wait3A_888 = arith.constant 2 : i32
      %dma_wait3A_889 = arith.constant 0 : i32
      %dma_wait3A_890 = arith.constant 0 : i32
      %dma_wait3A_891 = tpu.memref_slice %arg6[%dma_wait3A_888, %dma_wait3A_889, %dma_wait3A_890] : memref<4x128x64xf32, #tpu.memory_space<vmem>> -> memref<1x128x64xf32, #tpu.memory_space<vmem>>
      %dma_wait3A_892 = tpu.memref_squeeze %dma_wait3A_891 : memref<1x128x64xf32, #tpu.memory_space<vmem>> -> memref<128x64xf32, #tpu.memory_space<vmem>>
      %dma_wait3A_893 = arith.constant 0 : i32
      %dma_wait3A_894 = tpu.memref_slice %arg4[%mul3A_862, %dma_wait3A_893] : memref<819200x64xf32, #tpu.memory_space<hbm>> -> memref<128x64xf32, #tpu.memory_space<hbm>>
      %dma_wait3A_895 = arith.constant 0 : i32
      %dma_wait3A_896 = tpu.memref_slice %arg4[%mul3A_862, %dma_wait3A_895] : memref<819200x64xf32, #tpu.memory_space<hbm>> -> memref<128x64xf32, #tpu.memory_space<hbm>>
      %dma_wait3A_897 = arith.constant 0 : i32
      %dma_wait3A_898 = arith.constant 0 : i32
      %dma_wait3A_899 = tpu.memref_slice %arg6[%dma_wait3A_888, %dma_wait3A_897, %dma_wait3A_898] : memref<4x128x64xf32, #tpu.memory_space<vmem>> -> memref<1x128x64xf32, #tpu.memory_space<vmem>>
      %dma_wait3A_900 = tpu.memref_squeeze %dma_wait3A_899 : memref<1x128x64xf32, #tpu.memory_space<vmem>> -> memref<128x64xf32, #tpu.memory_space<vmem>>
      tpu.wait_dma2 semaphore(%arg13 : memref<!tpu.dma_semaphore, #tpu.memory_space<semaphore_mem>>) src(%dma_wait3A_900 : memref<128x64xf32, #tpu.memory_space<vmem>>) dst(%dma_wait3A_896 : memref<128x64xf32, #tpu.memory_space<hbm>>)
      %dma_start3A_901 = arith.constant 18 : i32
      %dma_start3A_902 = arith.constant 2 : i32
      %dma_start3A_903 = arith.constant 0 : i32
      %dma_start3A_904 = arith.constant 0 : i32
      %dma_start3A_905 = tpu.memref_slice %arg6[%dma_start3A_902, %dma_start3A_903, %dma_start3A_904] : memref<4x128x64xf32, #tpu.memory_space<vmem>> -> memref<1x128x64xf32, #tpu.memory_space<vmem>>
      %dma_start3A_906 = tpu.memref_squeeze %dma_start3A_905 : memref<1x128x64xf32, #tpu.memory_space<vmem>> -> memref<128x64xf32, #tpu.memory_space<vmem>>
      %dma_start3A_907 = arith.constant 0 : i32
      %dma_start3A_908 = tpu.memref_slice %arg5[%dma_start3A_901, %dma_start3A_907] : memref<20x128xi32, #tpu.memory_space<vmem>> -> memref<1x128xi32, #tpu.memory_space<vmem>>
      %dma_start3A_909 = tpu.memref_squeeze %dma_start3A_908 : memref<1x128xi32, #tpu.memory_space<vmem>> -> memref<128xi32, #tpu.memory_space<vmem>>
      %dma_start3A_910 = arith.constant 0 : i32
      %dma_start3A_911 = arith.constant 0 : i32
      %dma_start3A_912 = tpu.memref_slice %arg3[%dma_start3A_910, %dma_start3A_911] : memref<1000000x64xf32, #tpu.memory_space<hbm>> -> memref<1000000x64xf32, #tpu.memory_space<hbm>>
      tpu.enqueue_indirect_dma source(%dma_start3A_912 : memref<1000000x64xf32, #tpu.memory_space<hbm>>) target(%dma_start3A_906 : memref<128x64xf32, #tpu.memory_space<vmem>>) offsets(%dma_start3A_909 : memref<128xi32, #tpu.memory_space<vmem>>) semaphore(%arg9 : memref<!tpu.dma_semaphore, #tpu.memory_space<semaphore_mem>>)
      %mul3A_913 = arith.constant 20 : i32
      %mul3A_914 = arith.muli %scan3A_8, %mul3A_913 : i32
      %add3A_915 = arith.addi %mul3A_2, %mul3A_914 : i32
      %add3A_916 = arith.constant 15 : i32
      %add3A_917 = arith.addi %add3A_915, %add3A_916 : i32
      %mul3A_918 = arith.constant 128 : i32
      %mul3A_919 = arith.muli %add3A_917, %mul3A_918 : i32
      %dma_wait3A_920 = arith.constant 15 : i32
      %dma_wait3A_921 = arith.constant 3 : i32
      %dma_wait3A_922 = arith.constant 0 : i32
      %dma_wait3A_923 = arith.constant 0 : i32
      %dma_wait3A_924 = tpu.memref_slice %arg6[%dma_wait3A_921, %dma_wait3A_922, %dma_wait3A_923] : memref<4x128x64xf32, #tpu.memory_space<vmem>> -> memref<1x128x64xf32, #tpu.memory_space<vmem>>
      %dma_wait3A_925 = tpu.memref_squeeze %dma_wait3A_924 : memref<1x128x64xf32, #tpu.memory_space<vmem>> -> memref<128x64xf32, #tpu.memory_space<vmem>>
      %dma_wait3A_926 = arith.constant 0 : i32
      %dma_wait3A_927 = tpu.memref_slice %arg5[%dma_wait3A_920, %dma_wait3A_926] : memref<20x128xi32, #tpu.memory_space<vmem>> -> memref<1x128xi32, #tpu.memory_space<vmem>>
      %dma_wait3A_928 = tpu.memref_squeeze %dma_wait3A_927 : memref<1x128xi32, #tpu.memory_space<vmem>> -> memref<128xi32, #tpu.memory_space<vmem>>
      %dma_wait3A_929 = arith.constant 0 : i32
      %dma_wait3A_930 = arith.constant 0 : i32
      %dma_wait3A_931 = tpu.memref_slice %arg3[%dma_wait3A_929, %dma_wait3A_930] : memref<1000000x64xf32, #tpu.memory_space<hbm>> -> memref<1000000x64xf32, #tpu.memory_space<hbm>>
      tpu.wait_indirect_dma semaphore(%arg10 : memref<!tpu.dma_semaphore, #tpu.memory_space<semaphore_mem>>) src(%dma_wait3A_931 : memref<1000000x64xf32, #tpu.memory_space<hbm>>) dst(%dma_wait3A_925 : memref<128x64xf32, #tpu.memory_space<vmem>>)
      %dma_start3A_932 = arith.constant 3 : i32
      %dma_start3A_933 = arith.constant 0 : i32
      %dma_start3A_934 = arith.constant 0 : i32
      %dma_start3A_935 = tpu.memref_slice %arg6[%dma_start3A_932, %dma_start3A_933, %dma_start3A_934] : memref<4x128x64xf32, #tpu.memory_space<vmem>> -> memref<1x128x64xf32, #tpu.memory_space<vmem>>
      %dma_start3A_936 = tpu.memref_squeeze %dma_start3A_935 : memref<1x128x64xf32, #tpu.memory_space<vmem>> -> memref<128x64xf32, #tpu.memory_space<vmem>>
      %dma_start3A_937 = arith.constant 0 : i32
      %dma_start3A_938 = tpu.memref_slice %arg4[%mul3A_919, %dma_start3A_937] : memref<819200x64xf32, #tpu.memory_space<hbm>> -> memref<128x64xf32, #tpu.memory_space<hbm>>
      %dma_start3A_939 = arith.constant 0 : i32
      %dma_start3A_940 = tpu.memref_slice %arg4[%mul3A_919, %dma_start3A_939] : memref<819200x64xf32, #tpu.memory_space<hbm>> -> memref<128x64xf32, #tpu.memory_space<hbm>>
      %dma_start3A_941 = arith.constant 0 : i32
      %dma_start3A_942 = arith.constant 0 : i32
      %dma_start3A_943 = tpu.memref_slice %arg6[%dma_start3A_932, %dma_start3A_941, %dma_start3A_942] : memref<4x128x64xf32, #tpu.memory_space<vmem>> -> memref<1x128x64xf32, #tpu.memory_space<vmem>>
      %dma_start3A_944 = tpu.memref_squeeze %dma_start3A_943 : memref<1x128x64xf32, #tpu.memory_space<vmem>> -> memref<128x64xf32, #tpu.memory_space<vmem>>
      tpu.enqueue_dma source(%dma_start3A_944 : memref<128x64xf32, #tpu.memory_space<vmem>>) target(%dma_start3A_940 : memref<128x64xf32, #tpu.memory_space<hbm>>) target_semaphore(%arg14 : memref<!tpu.dma_semaphore, #tpu.memory_space<semaphore_mem>>)
      %dma_wait3A_945 = arith.constant 3 : i32
      %dma_wait3A_946 = arith.constant 0 : i32
      %dma_wait3A_947 = arith.constant 0 : i32
      %dma_wait3A_948 = tpu.memref_slice %arg6[%dma_wait3A_945, %dma_wait3A_946, %dma_wait3A_947] : memref<4x128x64xf32, #tpu.memory_space<vmem>> -> memref<1x128x64xf32, #tpu.memory_space<vmem>>
      %dma_wait3A_949 = tpu.memref_squeeze %dma_wait3A_948 : memref<1x128x64xf32, #tpu.memory_space<vmem>> -> memref<128x64xf32, #tpu.memory_space<vmem>>
      %dma_wait3A_950 = arith.constant 0 : i32
      %dma_wait3A_951 = tpu.memref_slice %arg4[%mul3A_919, %dma_wait3A_950] : memref<819200x64xf32, #tpu.memory_space<hbm>> -> memref<128x64xf32, #tpu.memory_space<hbm>>
      %dma_wait3A_952 = arith.constant 0 : i32
      %dma_wait3A_953 = tpu.memref_slice %arg4[%mul3A_919, %dma_wait3A_952] : memref<819200x64xf32, #tpu.memory_space<hbm>> -> memref<128x64xf32, #tpu.memory_space<hbm>>
      %dma_wait3A_954 = arith.constant 0 : i32
      %dma_wait3A_955 = arith.constant 0 : i32
      %dma_wait3A_956 = tpu.memref_slice %arg6[%dma_wait3A_945, %dma_wait3A_954, %dma_wait3A_955] : memref<4x128x64xf32, #tpu.memory_space<vmem>> -> memref<1x128x64xf32, #tpu.memory_space<vmem>>
      %dma_wait3A_957 = tpu.memref_squeeze %dma_wait3A_956 : memref<1x128x64xf32, #tpu.memory_space<vmem>> -> memref<128x64xf32, #tpu.memory_space<vmem>>
      tpu.wait_dma2 semaphore(%arg14 : memref<!tpu.dma_semaphore, #tpu.memory_space<semaphore_mem>>) src(%dma_wait3A_957 : memref<128x64xf32, #tpu.memory_space<vmem>>) dst(%dma_wait3A_953 : memref<128x64xf32, #tpu.memory_space<hbm>>)
      %dma_start3A_958 = arith.constant 19 : i32
      %dma_start3A_959 = arith.constant 3 : i32
      %dma_start3A_960 = arith.constant 0 : i32
      %dma_start3A_961 = arith.constant 0 : i32
      %dma_start3A_962 = tpu.memref_slice %arg6[%dma_start3A_959, %dma_start3A_960, %dma_start3A_961] : memref<4x128x64xf32, #tpu.memory_space<vmem>> -> memref<1x128x64xf32, #tpu.memory_space<vmem>>
      %dma_start3A_963 = tpu.memref_squeeze %dma_start3A_962 : memref<1x128x64xf32, #tpu.memory_space<vmem>> -> memref<128x64xf32, #tpu.memory_space<vmem>>
      %dma_start3A_964 = arith.constant 0 : i32
      %dma_start3A_965 = tpu.memref_slice %arg5[%dma_start3A_958, %dma_start3A_964] : memref<20x128xi32, #tpu.memory_space<vmem>> -> memref<1x128xi32, #tpu.memory_space<vmem>>
      %dma_start3A_966 = tpu.memref_squeeze %dma_start3A_965 : memref<1x128xi32, #tpu.memory_space<vmem>> -> memref<128xi32, #tpu.memory_space<vmem>>
      %dma_start3A_967 = arith.constant 0 : i32
      %dma_start3A_968 = arith.constant 0 : i32
      %dma_start3A_969 = tpu.memref_slice %arg3[%dma_start3A_967, %dma_start3A_968] : memref<1000000x64xf32, #tpu.memory_space<hbm>> -> memref<1000000x64xf32, #tpu.memory_space<hbm>>
      tpu.enqueue_indirect_dma source(%dma_start3A_969 : memref<1000000x64xf32, #tpu.memory_space<hbm>>) target(%dma_start3A_963 : memref<128x64xf32, #tpu.memory_space<vmem>>) offsets(%dma_start3A_966 : memref<128xi32, #tpu.memory_space<vmem>>) semaphore(%arg10 : memref<!tpu.dma_semaphore, #tpu.memory_space<semaphore_mem>>)
      %mul3A_970 = arith.constant 20 : i32
      %mul3A_971 = arith.muli %scan3A_8, %mul3A_970 : i32
      %add3A_972 = arith.addi %mul3A_2, %mul3A_971 : i32
      %add3A_973 = arith.constant 16 : i32
      %add3A_974 = arith.addi %add3A_972, %add3A_973 : i32
      %mul3A_975 = arith.constant 128 : i32
      %mul3A_976 = arith.muli %add3A_974, %mul3A_975 : i32
      %dma_wait3A_977 = arith.constant 16 : i32
      %dma_wait3A_978 = arith.constant 0 : i32
      %dma_wait3A_979 = arith.constant 0 : i32
      %dma_wait3A_980 = arith.constant 0 : i32
      %dma_wait3A_981 = tpu.memref_slice %arg6[%dma_wait3A_978, %dma_wait3A_979, %dma_wait3A_980] : memref<4x128x64xf32, #tpu.memory_space<vmem>> -> memref<1x128x64xf32, #tpu.memory_space<vmem>>
      %dma_wait3A_982 = tpu.memref_squeeze %dma_wait3A_981 : memref<1x128x64xf32, #tpu.memory_space<vmem>> -> memref<128x64xf32, #tpu.memory_space<vmem>>
      %dma_wait3A_983 = arith.constant 0 : i32
      %dma_wait3A_984 = tpu.memref_slice %arg5[%dma_wait3A_977, %dma_wait3A_983] : memref<20x128xi32, #tpu.memory_space<vmem>> -> memref<1x128xi32, #tpu.memory_space<vmem>>
      %dma_wait3A_985 = tpu.memref_squeeze %dma_wait3A_984 : memref<1x128xi32, #tpu.memory_space<vmem>> -> memref<128xi32, #tpu.memory_space<vmem>>
      %dma_wait3A_986 = arith.constant 0 : i32
      %dma_wait3A_987 = arith.constant 0 : i32
      %dma_wait3A_988 = tpu.memref_slice %arg3[%dma_wait3A_986, %dma_wait3A_987] : memref<1000000x64xf32, #tpu.memory_space<hbm>> -> memref<1000000x64xf32, #tpu.memory_space<hbm>>
      tpu.wait_indirect_dma semaphore(%arg7 : memref<!tpu.dma_semaphore, #tpu.memory_space<semaphore_mem>>) src(%dma_wait3A_988 : memref<1000000x64xf32, #tpu.memory_space<hbm>>) dst(%dma_wait3A_982 : memref<128x64xf32, #tpu.memory_space<vmem>>)
      %dma_start3A_989 = arith.constant 0 : i32
      %dma_start3A_990 = arith.constant 0 : i32
      %dma_start3A_991 = arith.constant 0 : i32
      %dma_start3A_992 = tpu.memref_slice %arg6[%dma_start3A_989, %dma_start3A_990, %dma_start3A_991] : memref<4x128x64xf32, #tpu.memory_space<vmem>> -> memref<1x128x64xf32, #tpu.memory_space<vmem>>
      %dma_start3A_993 = tpu.memref_squeeze %dma_start3A_992 : memref<1x128x64xf32, #tpu.memory_space<vmem>> -> memref<128x64xf32, #tpu.memory_space<vmem>>
      %dma_start3A_994 = arith.constant 0 : i32
      %dma_start3A_995 = tpu.memref_slice %arg4[%mul3A_976, %dma_start3A_994] : memref<819200x64xf32, #tpu.memory_space<hbm>> -> memref<128x64xf32, #tpu.memory_space<hbm>>
      %dma_start3A_996 = arith.constant 0 : i32
      %dma_start3A_997 = tpu.memref_slice %arg4[%mul3A_976, %dma_start3A_996] : memref<819200x64xf32, #tpu.memory_space<hbm>> -> memref<128x64xf32, #tpu.memory_space<hbm>>
      %dma_start3A_998 = arith.constant 0 : i32
      %dma_start3A_999 = arith.constant 0 : i32
      %dma_start3A_1000 = tpu.memref_slice %arg6[%dma_start3A_989, %dma_start3A_998, %dma_start3A_999] : memref<4x128x64xf32, #tpu.memory_space<vmem>> -> memref<1x128x64xf32, #tpu.memory_space<vmem>>
      %dma_start3A_1001 = tpu.memref_squeeze %dma_start3A_1000 : memref<1x128x64xf32, #tpu.memory_space<vmem>> -> memref<128x64xf32, #tpu.memory_space<vmem>>
      tpu.enqueue_dma source(%dma_start3A_1001 : memref<128x64xf32, #tpu.memory_space<vmem>>) target(%dma_start3A_997 : memref<128x64xf32, #tpu.memory_space<hbm>>) target_semaphore(%arg11 : memref<!tpu.dma_semaphore, #tpu.memory_space<semaphore_mem>>)
      %mul3A_1002 = arith.constant 20 : i32
      %mul3A_1003 = arith.muli %scan3A_8, %mul3A_1002 : i32
      %add3A_1004 = arith.addi %mul3A_2, %mul3A_1003 : i32
      %add3A_1005 = arith.constant 17 : i32
      %add3A_1006 = arith.addi %add3A_1004, %add3A_1005 : i32
      %mul3A_1007 = arith.constant 128 : i32
      %mul3A_1008 = arith.muli %add3A_1006, %mul3A_1007 : i32
      %dma_wait3A_1009 = arith.constant 17 : i32
      %dma_wait3A_1010 = arith.constant 1 : i32
      %dma_wait3A_1011 = arith.constant 0 : i32
      %dma_wait3A_1012 = arith.constant 0 : i32
      %dma_wait3A_1013 = tpu.memref_slice %arg6[%dma_wait3A_1010, %dma_wait3A_1011, %dma_wait3A_1012] : memref<4x128x64xf32, #tpu.memory_space<vmem>> -> memref<1x128x64xf32, #tpu.memory_space<vmem>>
      %dma_wait3A_1014 = tpu.memref_squeeze %dma_wait3A_1013 : memref<1x128x64xf32, #tpu.memory_space<vmem>> -> memref<128x64xf32, #tpu.memory_space<vmem>>
      %dma_wait3A_1015 = arith.constant 0 : i32
      %dma_wait3A_1016 = tpu.memref_slice %arg5[%dma_wait3A_1009, %dma_wait3A_1015] : memref<20x128xi32, #tpu.memory_space<vmem>> -> memref<1x128xi32, #tpu.memory_space<vmem>>
      %dma_wait3A_1017 = tpu.memref_squeeze %dma_wait3A_1016 : memref<1x128xi32, #tpu.memory_space<vmem>> -> memref<128xi32, #tpu.memory_space<vmem>>
      %dma_wait3A_1018 = arith.constant 0 : i32
      %dma_wait3A_1019 = arith.constant 0 : i32
      %dma_wait3A_1020 = tpu.memref_slice %arg3[%dma_wait3A_1018, %dma_wait3A_1019] : memref<1000000x64xf32, #tpu.memory_space<hbm>> -> memref<1000000x64xf32, #tpu.memory_space<hbm>>
      tpu.wait_indirect_dma semaphore(%arg8 : memref<!tpu.dma_semaphore, #tpu.memory_space<semaphore_mem>>) src(%dma_wait3A_1020 : memref<1000000x64xf32, #tpu.memory_space<hbm>>) dst(%dma_wait3A_1014 : memref<128x64xf32, #tpu.memory_space<vmem>>)
      %dma_start3A_1021 = arith.constant 1 : i32
      %dma_start3A_1022 = arith.constant 0 : i32
      %dma_start3A_1023 = arith.constant 0 : i32
      %dma_start3A_1024 = tpu.memref_slice %arg6[%dma_start3A_1021, %dma_start3A_1022, %dma_start3A_1023] : memref<4x128x64xf32, #tpu.memory_space<vmem>> -> memref<1x128x64xf32, #tpu.memory_space<vmem>>
      %dma_start3A_1025 = tpu.memref_squeeze %dma_start3A_1024 : memref<1x128x64xf32, #tpu.memory_space<vmem>> -> memref<128x64xf32, #tpu.memory_space<vmem>>
      %dma_start3A_1026 = arith.constant 0 : i32
      %dma_start3A_1027 = tpu.memref_slice %arg4[%mul3A_1008, %dma_start3A_1026] : memref<819200x64xf32, #tpu.memory_space<hbm>> -> memref<128x64xf32, #tpu.memory_space<hbm>>
      %dma_start3A_1028 = arith.constant 0 : i32
      %dma_start3A_1029 = tpu.memref_slice %arg4[%mul3A_1008, %dma_start3A_1028] : memref<819200x64xf32, #tpu.memory_space<hbm>> -> memref<128x64xf32, #tpu.memory_space<hbm>>
      %dma_start3A_1030 = arith.constant 0 : i32
      %dma_start3A_1031 = arith.constant 0 : i32
      %dma_start3A_1032 = tpu.memref_slice %arg6[%dma_start3A_1021, %dma_start3A_1030, %dma_start3A_1031] : memref<4x128x64xf32, #tpu.memory_space<vmem>> -> memref<1x128x64xf32, #tpu.memory_space<vmem>>
      %dma_start3A_1033 = tpu.memref_squeeze %dma_start3A_1032 : memref<1x128x64xf32, #tpu.memory_space<vmem>> -> memref<128x64xf32, #tpu.memory_space<vmem>>
      tpu.enqueue_dma source(%dma_start3A_1033 : memref<128x64xf32, #tpu.memory_space<vmem>>) target(%dma_start3A_1029 : memref<128x64xf32, #tpu.memory_space<hbm>>) target_semaphore(%arg12 : memref<!tpu.dma_semaphore, #tpu.memory_space<semaphore_mem>>)
      %mul3A_1034 = arith.constant 20 : i32
      %mul3A_1035 = arith.muli %scan3A_8, %mul3A_1034 : i32
      %add3A_1036 = arith.addi %mul3A_2, %mul3A_1035 : i32
      %add3A_1037 = arith.constant 18 : i32
      %add3A_1038 = arith.addi %add3A_1036, %add3A_1037 : i32
      %mul3A_1039 = arith.constant 128 : i32
      %mul3A_1040 = arith.muli %add3A_1038, %mul3A_1039 : i32
      %dma_wait3A_1041 = arith.constant 18 : i32
      %dma_wait3A_1042 = arith.constant 2 : i32
      %dma_wait3A_1043 = arith.constant 0 : i32
      %dma_wait3A_1044 = arith.constant 0 : i32
      %dma_wait3A_1045 = tpu.memref_slice %arg6[%dma_wait3A_1042, %dma_wait3A_1043, %dma_wait3A_1044] : memref<4x128x64xf32, #tpu.memory_space<vmem>> -> memref<1x128x64xf32, #tpu.memory_space<vmem>>
      %dma_wait3A_1046 = tpu.memref_squeeze %dma_wait3A_1045 : memref<1x128x64xf32, #tpu.memory_space<vmem>> -> memref<128x64xf32, #tpu.memory_space<vmem>>
      %dma_wait3A_1047 = arith.constant 0 : i32
      %dma_wait3A_1048 = tpu.memref_slice %arg5[%dma_wait3A_1041, %dma_wait3A_1047] : memref<20x128xi32, #tpu.memory_space<vmem>> -> memref<1x128xi32, #tpu.memory_space<vmem>>
      %dma_wait3A_1049 = tpu.memref_squeeze %dma_wait3A_1048 : memref<1x128xi32, #tpu.memory_space<vmem>> -> memref<128xi32, #tpu.memory_space<vmem>>
      %dma_wait3A_1050 = arith.constant 0 : i32
      %dma_wait3A_1051 = arith.constant 0 : i32
      %dma_wait3A_1052 = tpu.memref_slice %arg3[%dma_wait3A_1050, %dma_wait3A_1051] : memref<1000000x64xf32, #tpu.memory_space<hbm>> -> memref<1000000x64xf32, #tpu.memory_space<hbm>>
      tpu.wait_indirect_dma semaphore(%arg9 : memref<!tpu.dma_semaphore, #tpu.memory_space<semaphore_mem>>) src(%dma_wait3A_1052 : memref<1000000x64xf32, #tpu.memory_space<hbm>>) dst(%dma_wait3A_1046 : memref<128x64xf32, #tpu.memory_space<vmem>>)
      %dma_start3A_1053 = arith.constant 2 : i32
      %dma_start3A_1054 = arith.constant 0 : i32
      %dma_start3A_1055 = arith.constant 0 : i32
      %dma_start3A_1056 = tpu.memref_slice %arg6[%dma_start3A_1053, %dma_start3A_1054, %dma_start3A_1055] : memref<4x128x64xf32, #tpu.memory_space<vmem>> -> memref<1x128x64xf32, #tpu.memory_space<vmem>>
      %dma_start3A_1057 = tpu.memref_squeeze %dma_start3A_1056 : memref<1x128x64xf32, #tpu.memory_space<vmem>> -> memref<128x64xf32, #tpu.memory_space<vmem>>
      %dma_start3A_1058 = arith.constant 0 : i32
      %dma_start3A_1059 = tpu.memref_slice %arg4[%mul3A_1040, %dma_start3A_1058] : memref<819200x64xf32, #tpu.memory_space<hbm>> -> memref<128x64xf32, #tpu.memory_space<hbm>>
      %dma_start3A_1060 = arith.constant 0 : i32
      %dma_start3A_1061 = tpu.memref_slice %arg4[%mul3A_1040, %dma_start3A_1060] : memref<819200x64xf32, #tpu.memory_space<hbm>> -> memref<128x64xf32, #tpu.memory_space<hbm>>
      %dma_start3A_1062 = arith.constant 0 : i32
      %dma_start3A_1063 = arith.constant 0 : i32
      %dma_start3A_1064 = tpu.memref_slice %arg6[%dma_start3A_1053, %dma_start3A_1062, %dma_start3A_1063] : memref<4x128x64xf32, #tpu.memory_space<vmem>> -> memref<1x128x64xf32, #tpu.memory_space<vmem>>
      %dma_start3A_1065 = tpu.memref_squeeze %dma_start3A_1064 : memref<1x128x64xf32, #tpu.memory_space<vmem>> -> memref<128x64xf32, #tpu.memory_space<vmem>>
      tpu.enqueue_dma source(%dma_start3A_1065 : memref<128x64xf32, #tpu.memory_space<vmem>>) target(%dma_start3A_1061 : memref<128x64xf32, #tpu.memory_space<hbm>>) target_semaphore(%arg13 : memref<!tpu.dma_semaphore, #tpu.memory_space<semaphore_mem>>)
      %mul3A_1066 = arith.constant 20 : i32
      %mul3A_1067 = arith.muli %scan3A_8, %mul3A_1066 : i32
      %add3A_1068 = arith.addi %mul3A_2, %mul3A_1067 : i32
      %add3A_1069 = arith.constant 19 : i32
      %add3A_1070 = arith.addi %add3A_1068, %add3A_1069 : i32
      %mul3A_1071 = arith.constant 128 : i32
      %mul3A_1072 = arith.muli %add3A_1070, %mul3A_1071 : i32
      %dma_wait3A_1073 = arith.constant 19 : i32
      %dma_wait3A_1074 = arith.constant 3 : i32
      %dma_wait3A_1075 = arith.constant 0 : i32
      %dma_wait3A_1076 = arith.constant 0 : i32
      %dma_wait3A_1077 = tpu.memref_slice %arg6[%dma_wait3A_1074, %dma_wait3A_1075, %dma_wait3A_1076] : memref<4x128x64xf32, #tpu.memory_space<vmem>> -> memref<1x128x64xf32, #tpu.memory_space<vmem>>
      %dma_wait3A_1078 = tpu.memref_squeeze %dma_wait3A_1077 : memref<1x128x64xf32, #tpu.memory_space<vmem>> -> memref<128x64xf32, #tpu.memory_space<vmem>>
      %dma_wait3A_1079 = arith.constant 0 : i32
      %dma_wait3A_1080 = tpu.memref_slice %arg5[%dma_wait3A_1073, %dma_wait3A_1079] : memref<20x128xi32, #tpu.memory_space<vmem>> -> memref<1x128xi32, #tpu.memory_space<vmem>>
      %dma_wait3A_1081 = tpu.memref_squeeze %dma_wait3A_1080 : memref<1x128xi32, #tpu.memory_space<vmem>> -> memref<128xi32, #tpu.memory_space<vmem>>
      %dma_wait3A_1082 = arith.constant 0 : i32
      %dma_wait3A_1083 = arith.constant 0 : i32
      %dma_wait3A_1084 = tpu.memref_slice %arg3[%dma_wait3A_1082, %dma_wait3A_1083] : memref<1000000x64xf32, #tpu.memory_space<hbm>> -> memref<1000000x64xf32, #tpu.memory_space<hbm>>
      tpu.wait_indirect_dma semaphore(%arg10 : memref<!tpu.dma_semaphore, #tpu.memory_space<semaphore_mem>>) src(%dma_wait3A_1084 : memref<1000000x64xf32, #tpu.memory_space<hbm>>) dst(%dma_wait3A_1078 : memref<128x64xf32, #tpu.memory_space<vmem>>)
      %dma_start3A_1085 = arith.constant 3 : i32
      %dma_start3A_1086 = arith.constant 0 : i32
      %dma_start3A_1087 = arith.constant 0 : i32
      %dma_start3A_1088 = tpu.memref_slice %arg6[%dma_start3A_1085, %dma_start3A_1086, %dma_start3A_1087] : memref<4x128x64xf32, #tpu.memory_space<vmem>> -> memref<1x128x64xf32, #tpu.memory_space<vmem>>
      %dma_start3A_1089 = tpu.memref_squeeze %dma_start3A_1088 : memref<1x128x64xf32, #tpu.memory_space<vmem>> -> memref<128x64xf32, #tpu.memory_space<vmem>>
      %dma_start3A_1090 = arith.constant 0 : i32
      %dma_start3A_1091 = tpu.memref_slice %arg4[%mul3A_1072, %dma_start3A_1090] : memref<819200x64xf32, #tpu.memory_space<hbm>> -> memref<128x64xf32, #tpu.memory_space<hbm>>
      %dma_start3A_1092 = arith.constant 0 : i32
      %dma_start3A_1093 = tpu.memref_slice %arg4[%mul3A_1072, %dma_start3A_1092] : memref<819200x64xf32, #tpu.memory_space<hbm>> -> memref<128x64xf32, #tpu.memory_space<hbm>>
      %dma_start3A_1094 = arith.constant 0 : i32
      %dma_start3A_1095 = arith.constant 0 : i32
      %dma_start3A_1096 = tpu.memref_slice %arg6[%dma_start3A_1085, %dma_start3A_1094, %dma_start3A_1095] : memref<4x128x64xf32, #tpu.memory_space<vmem>> -> memref<1x128x64xf32, #tpu.memory_space<vmem>>
      %dma_start3A_1097 = tpu.memref_squeeze %dma_start3A_1096 : memref<1x128x64xf32, #tpu.memory_space<vmem>> -> memref<128x64xf32, #tpu.memory_space<vmem>>
      tpu.enqueue_dma source(%dma_start3A_1097 : memref<128x64xf32, #tpu.memory_space<vmem>>) target(%dma_start3A_1093 : memref<128x64xf32, #tpu.memory_space<hbm>>) target_semaphore(%arg14 : memref<!tpu.dma_semaphore, #tpu.memory_space<semaphore_mem>>)
      %dma_wait3A_1098 = arith.constant 0 : i32
      %dma_wait3A_1099 = arith.constant 0 : i32
      %dma_wait3A_1100 = arith.constant 0 : i32
      %dma_wait3A_1101 = tpu.memref_slice %arg6[%dma_wait3A_1098, %dma_wait3A_1099, %dma_wait3A_1100] : memref<4x128x64xf32, #tpu.memory_space<vmem>> -> memref<1x128x64xf32, #tpu.memory_space<vmem>>
      %dma_wait3A_1102 = tpu.memref_squeeze %dma_wait3A_1101 : memref<1x128x64xf32, #tpu.memory_space<vmem>> -> memref<128x64xf32, #tpu.memory_space<vmem>>
      %dma_wait3A_1103 = arith.constant 0 : i32
      %dma_wait3A_1104 = tpu.memref_slice %arg4[%mul3A_976, %dma_wait3A_1103] : memref<819200x64xf32, #tpu.memory_space<hbm>> -> memref<128x64xf32, #tpu.memory_space<hbm>>
      %dma_wait3A_1105 = arith.constant 0 : i32
      %dma_wait3A_1106 = tpu.memref_slice %arg4[%mul3A_976, %dma_wait3A_1105] : memref<819200x64xf32, #tpu.memory_space<hbm>> -> memref<128x64xf32, #tpu.memory_space<hbm>>
      %dma_wait3A_1107 = arith.constant 0 : i32
      %dma_wait3A_1108 = arith.constant 0 : i32
      %dma_wait3A_1109 = tpu.memref_slice %arg6[%dma_wait3A_1098, %dma_wait3A_1107, %dma_wait3A_1108] : memref<4x128x64xf32, #tpu.memory_space<vmem>> -> memref<1x128x64xf32, #tpu.memory_space<vmem>>
      %dma_wait3A_1110 = tpu.memref_squeeze %dma_wait3A_1109 : memref<1x128x64xf32, #tpu.memory_space<vmem>> -> memref<128x64xf32, #tpu.memory_space<vmem>>
      tpu.wait_dma2 semaphore(%arg11 : memref<!tpu.dma_semaphore, #tpu.memory_space<semaphore_mem>>) src(%dma_wait3A_1110 : memref<128x64xf32, #tpu.memory_space<vmem>>) dst(%dma_wait3A_1106 : memref<128x64xf32, #tpu.memory_space<hbm>>)
      %dma_wait3A_1111 = arith.constant 1 : i32
      %dma_wait3A_1112 = arith.constant 0 : i32
      %dma_wait3A_1113 = arith.constant 0 : i32
      %dma_wait3A_1114 = tpu.memref_slice %arg6[%dma_wait3A_1111, %dma_wait3A_1112, %dma_wait3A_1113] : memref<4x128x64xf32, #tpu.memory_space<vmem>> -> memref<1x128x64xf32, #tpu.memory_space<vmem>>
      %dma_wait3A_1115 = tpu.memref_squeeze %dma_wait3A_1114 : memref<1x128x64xf32, #tpu.memory_space<vmem>> -> memref<128x64xf32, #tpu.memory_space<vmem>>
      %dma_wait3A_1116 = arith.constant 0 : i32
      %dma_wait3A_1117 = tpu.memref_slice %arg4[%mul3A_1008, %dma_wait3A_1116] : memref<819200x64xf32, #tpu.memory_space<hbm>> -> memref<128x64xf32, #tpu.memory_space<hbm>>
      %dma_wait3A_1118 = arith.constant 0 : i32
      %dma_wait3A_1119 = tpu.memref_slice %arg4[%mul3A_1008, %dma_wait3A_1118] : memref<819200x64xf32, #tpu.memory_space<hbm>> -> memref<128x64xf32, #tpu.memory_space<hbm>>
      %dma_wait3A_1120 = arith.constant 0 : i32
      %dma_wait3A_1121 = arith.constant 0 : i32
      %dma_wait3A_1122 = tpu.memref_slice %arg6[%dma_wait3A_1111, %dma_wait3A_1120, %dma_wait3A_1121] : memref<4x128x64xf32, #tpu.memory_space<vmem>> -> memref<1x128x64xf32, #tpu.memory_space<vmem>>
      %dma_wait3A_1123 = tpu.memref_squeeze %dma_wait3A_1122 : memref<1x128x64xf32, #tpu.memory_space<vmem>> -> memref<128x64xf32, #tpu.memory_space<vmem>>
      tpu.wait_dma2 semaphore(%arg12 : memref<!tpu.dma_semaphore, #tpu.memory_space<semaphore_mem>>) src(%dma_wait3A_1123 : memref<128x64xf32, #tpu.memory_space<vmem>>) dst(%dma_wait3A_1119 : memref<128x64xf32, #tpu.memory_space<hbm>>)
      %dma_wait3A_1124 = arith.constant 2 : i32
      %dma_wait3A_1125 = arith.constant 0 : i32
      %dma_wait3A_1126 = arith.constant 0 : i32
      %dma_wait3A_1127 = tpu.memref_slice %arg6[%dma_wait3A_1124, %dma_wait3A_1125, %dma_wait3A_1126] : memref<4x128x64xf32, #tpu.memory_space<vmem>> -> memref<1x128x64xf32, #tpu.memory_space<vmem>>
      %dma_wait3A_1128 = tpu.memref_squeeze %dma_wait3A_1127 : memref<1x128x64xf32, #tpu.memory_space<vmem>> -> memref<128x64xf32, #tpu.memory_space<vmem>>
      %dma_wait3A_1129 = arith.constant 0 : i32
      %dma_wait3A_1130 = tpu.memref_slice %arg4[%mul3A_1040, %dma_wait3A_1129] : memref<819200x64xf32, #tpu.memory_space<hbm>> -> memref<128x64xf32, #tpu.memory_space<hbm>>
      %dma_wait3A_1131 = arith.constant 0 : i32
      %dma_wait3A_1132 = tpu.memref_slice %arg4[%mul3A_1040, %dma_wait3A_1131] : memref<819200x64xf32, #tpu.memory_space<hbm>> -> memref<128x64xf32, #tpu.memory_space<hbm>>
      %dma_wait3A_1133 = arith.constant 0 : i32
      %dma_wait3A_1134 = arith.constant 0 : i32
      %dma_wait3A_1135 = tpu.memref_slice %arg6[%dma_wait3A_1124, %dma_wait3A_1133, %dma_wait3A_1134] : memref<4x128x64xf32, #tpu.memory_space<vmem>> -> memref<1x128x64xf32, #tpu.memory_space<vmem>>
      %dma_wait3A_1136 = tpu.memref_squeeze %dma_wait3A_1135 : memref<1x128x64xf32, #tpu.memory_space<vmem>> -> memref<128x64xf32, #tpu.memory_space<vmem>>
      tpu.wait_dma2 semaphore(%arg13 : memref<!tpu.dma_semaphore, #tpu.memory_space<semaphore_mem>>) src(%dma_wait3A_1136 : memref<128x64xf32, #tpu.memory_space<vmem>>) dst(%dma_wait3A_1132 : memref<128x64xf32, #tpu.memory_space<hbm>>)
      %dma_wait3A_1137 = arith.constant 3 : i32
      %dma_wait3A_1138 = arith.constant 0 : i32
      %dma_wait3A_1139 = arith.constant 0 : i32
      %dma_wait3A_1140 = tpu.memref_slice %arg6[%dma_wait3A_1137, %dma_wait3A_1138, %dma_wait3A_1139] : memref<4x128x64xf32, #tpu.memory_space<vmem>> -> memref<1x128x64xf32, #tpu.memory_space<vmem>>
      %dma_wait3A_1141 = tpu.memref_squeeze %dma_wait3A_1140 : memref<1x128x64xf32, #tpu.memory_space<vmem>> -> memref<128x64xf32, #tpu.memory_space<vmem>>
      %dma_wait3A_1142 = arith.constant 0 : i32
      %dma_wait3A_1143 = tpu.memref_slice %arg4[%mul3A_1072, %dma_wait3A_1142] : memref<819200x64xf32, #tpu.memory_space<hbm>> -> memref<128x64xf32, #tpu.memory_space<hbm>>
      %dma_wait3A_1144 = arith.constant 0 : i32
      %dma_wait3A_1145 = tpu.memref_slice %arg4[%mul3A_1072, %dma_wait3A_1144] : memref<819200x64xf32, #tpu.memory_space<hbm>> -> memref<128x64xf32, #tpu.memory_space<hbm>>
      %dma_wait3A_1146 = arith.constant 0 : i32
      %dma_wait3A_1147 = arith.constant 0 : i32
      %dma_wait3A_1148 = tpu.memref_slice %arg6[%dma_wait3A_1137, %dma_wait3A_1146, %dma_wait3A_1147] : memref<4x128x64xf32, #tpu.memory_space<vmem>> -> memref<1x128x64xf32, #tpu.memory_space<vmem>>
      %dma_wait3A_1149 = tpu.memref_squeeze %dma_wait3A_1148 : memref<1x128x64xf32, #tpu.memory_space<vmem>> -> memref<128x64xf32, #tpu.memory_space<vmem>>
      tpu.wait_dma2 semaphore(%arg14 : memref<!tpu.dma_semaphore, #tpu.memory_space<semaphore_mem>>) src(%dma_wait3A_1149 : memref<128x64xf32, #tpu.memory_space<vmem>>) dst(%dma_wait3A_1145 : memref<128x64xf32, #tpu.memory_space<hbm>>)
    }
    %scan3A_7 = arith.constant 10 : i32
    return
  }
}

module attributes {stable_mosaic.version = 14 : i64} {
  func.func @_tc_body(%arg0: i32, %arg1: memref<2048x128xf32, #tpu.memory_space<vmem>>, %arg2: memref<1x1x64xf32, #tpu.memory_space<vmem>>, %arg3: memref<128x128xf32, #tpu.memory_space<vmem>>, %arg4: memref<64x1xf32, #tpu.memory_space<vmem>>, %arg5: memref<64x1xf32, #tpu.memory_space<vmem>>, %arg6: memref<64x1xf32, #tpu.memory_space<vmem>>, %arg7: memref<1x64x4096xf32, #tpu.memory_space<vmem>>) attributes {dimension_semantics = [#tpu.dimension_semantics<arbitrary>], iteration_bounds = array<i64: 200>, scalar_prefetch = 0 : i64, scratch_operands = 0 : i64, tpu.core_type = #tpu.core_type<tc>, window_params = [{transform_indices = @transform_0, window_bounds = array<i64: 2048, 128>}, {transform_indices = @transform_1, window_bounds = array<i64: 1, 1, 64>}, {pipeline_mode = #tpu.pipeline_mode<synchronous>, transform_indices = @transform_2, window_bounds = array<i64: 128, 128>}, {pipeline_mode = #tpu.pipeline_mode<synchronous>, transform_indices = @transform_3, window_bounds = array<i64: 64, 1>}, {pipeline_mode = #tpu.pipeline_mode<synchronous>, transform_indices = @transform_4, window_bounds = array<i64: 64, 1>}, {pipeline_mode = #tpu.pipeline_mode<synchronous>, transform_indices = @transform_5, window_bounds = array<i64: 64, 1>}, {transform_indices = @transform_6, window_bounds = array<i64: 1, 64, 4096>}]} {
    %get3A = arith.constant 0 : index
    %get3A_0 = arith.constant 0 : index
    %get3A_1 = vector.load %arg1[%get3A, %get3A_0] : memref<2048x128xf32, #tpu.memory_space<vmem>>, vector<2048x128xf32>
    %get3A_2 = arith.constant 0 : index
    %get3A_3 = arith.constant 0 : index
    %get3A_4 = arith.constant 0 : index
    %get3A_5 = vector.load %arg2[%get3A_2, %get3A_3, %get3A_4] : memref<1x1x64xf32, #tpu.memory_space<vmem>>, vector<1x1x64xf32>
    %get3A_6 = vector.shape_cast %get3A_5 : vector<1x1x64xf32> to vector<1x64xf32>
    %broadcast_in_dim3A = arith.constant 0.000000e+00 : f32
    %broadcast_in_dim3A_7 = vector.broadcast %broadcast_in_dim3A : f32 to vector<1x64xf32>
    %broadcast_in_dim3A_8 = arith.constant 1.000000e+00 : f32
    %broadcast_in_dim3A_9 = vector.broadcast %broadcast_in_dim3A_8 : f32 to vector<1x64xf32>
    %concatenate3A = tpu.concatenate %get3A_6, %broadcast_in_dim3A_7 in 1 : vector<1x64xf32>, vector<1x64xf32> -> vector<1x128xf32>
    %concatenate3A_10 = tpu.concatenate %broadcast_in_dim3A_7, %get3A_6 in 1 : vector<1x64xf32>, vector<1x64xf32> -> vector<1x128xf32>
    %concatenate3A_11 = tpu.concatenate %concatenate3A, %concatenate3A_10 in 0 : vector<1x128xf32>, vector<1x128xf32> -> vector<2x128xf32>
    %concatenate3A_12 = tpu.concatenate %broadcast_in_dim3A_9, %broadcast_in_dim3A_7 in 1 : vector<1x64xf32>, vector<1x64xf32> -> vector<1x128xf32>
    %concatenate3A_13 = tpu.concatenate %broadcast_in_dim3A_7, %broadcast_in_dim3A_9 in 1 : vector<1x64xf32>, vector<1x64xf32> -> vector<1x128xf32>
    %concatenate3A_14 = tpu.concatenate %concatenate3A_12, %concatenate3A_13 in 0 : vector<1x128xf32>, vector<1x128xf32> -> vector<2x128xf32>
    %mul3A = arith.mulf %get3A_6, %get3A_6 : vector<1x64xf32>
    %reduce_sum3A = arith.constant dense<0.000000e+00> : vector<1xf32>
    %reduce_sum3A_15 = vector.multi_reduction <add>, %mul3A, %reduce_sum3A [1] : vector<1x64xf32> to vector<1xf32>
    %broadcast_in_dim3A_16 = vector.shape_cast %reduce_sum3A_15 : vector<1xf32> to vector<1x1xf32>
    %mul3A_17 = arith.constant 2.500000e-01 : f32
    %mul3A_18 = vector.broadcast %mul3A_17 : f32 to vector<1x1xf32>
    %mul3A_19 = arith.mulf %mul3A_18, %broadcast_in_dim3A_16 : vector<1x1xf32>
    %mul3A_20 = arith.mulf %get3A_1, %get3A_1 : vector<2048x128xf32>
    %dot_general3A = arith.constant dense<0.000000e+00> : vector<2x2048xf32>
    %dot_general3A_21 = tpu.matmul %concatenate3A_14, %mul3A_20, %dot_general3A {dimension_numbers = #tpu.dot_dimension_numbers<[1], [1], [0], [0], [0, 0, 1, 0], [], []>, transpose_lhs_hint = false} : vector<2x128xf32>, vector<2048x128xf32>, vector<2x2048xf32> -> vector<2x2048xf32>
    %dot_general3A_22 = arith.constant dense<0.000000e+00> : vector<2x2048xf32>
    %dot_general3A_23 = tpu.matmul %concatenate3A_11, %get3A_1, %dot_general3A_22 {dimension_numbers = #tpu.dot_dimension_numbers<[1], [1], [0], [0], [0, 0, 1, 0], [], []>, transpose_lhs_hint = false} : vector<2x128xf32>, vector<2048x128xf32>, vector<2x2048xf32> -> vector<2x2048xf32>
    %add3A = arith.addf %dot_general3A_21, %dot_general3A_23 : vector<2x2048xf32>
    %get3A_24 = arith.constant 0 : index
    %get3A_25 = arith.constant 0 : index
    %get3A_26 = vector.load %arg3[%get3A_24, %get3A_25] : memref<128x128xf32, #tpu.memory_space<vmem>>, vector<128x128xf32>
    %slice3A = vector.extract_strided_slice %get3A_26 {offsets = [0, 0], sizes = [64, 64], strides = [1, 1]} : vector<128x128xf32> to vector<64x64xf32>
    %mul3A_27 = arith.constant 5.000000e-01 : f32
    %mul3A_28 = vector.broadcast %mul3A_27 : f32 to vector<1x64xf32>
    %mul3A_29 = arith.mulf %mul3A_28, %get3A_6 : vector<1x64xf32>
    %dot_general3A_30 = arith.constant dense<0.000000e+00> : vector<64x1xf32>
    %dot_general3A_31 = tpu.matmul %slice3A, %mul3A_29, %dot_general3A_30 {dimension_numbers = #tpu.dot_dimension_numbers<[1], [1], [0], [0], [0, 0, 1, 0], [], []>, transpose_lhs_hint = false} : vector<64x64xf32>, vector<1x64xf32>, vector<64x1xf32> -> vector<64x1xf32>
    %dot_general3A_32 = arith.constant dense<0.000000e+00> : vector<128x2048xf32>
    %dot_general3A_33 = tpu.matmul %get3A_26, %get3A_1, %dot_general3A_32 {dimension_numbers = #tpu.dot_dimension_numbers<[1], [1], [0], [0], [0, 0, 1, 0], [], []>, transpose_lhs_hint = false} : vector<128x128xf32>, vector<2048x128xf32>, vector<128x2048xf32> -> vector<128x2048xf32>
    %get3A_34 = arith.constant 0 : index
    %get3A_35 = arith.constant 0 : index
    %get3A_36 = vector.load %arg4[%get3A_34, %get3A_35] : memref<64x1xf32, #tpu.memory_space<vmem>>, vector<64x1xf32>
    %mul3A_37 = arith.mulf %get3A_36, %get3A_36 : vector<64x1xf32>
    %reduce_sum3A_38 = arith.constant dense<0.000000e+00> : vector<1xf32>
    %reduce_sum3A_39 = vector.multi_reduction <add>, %mul3A_37, %reduce_sum3A_38 [0] : vector<64x1xf32> to vector<1xf32>
    %broadcast_in_dim3A_40 = vector.shape_cast %reduce_sum3A_39 : vector<1xf32> to vector<1x1xf32>
    %jit3A = arith.constant 1.000000e-15 : f32
    %max3A = vector.broadcast %jit3A : f32 to vector<1x1xf32>
    %max3A_41 = arith.maximumf %max3A, %broadcast_in_dim3A_40 : vector<1x1xf32>
    %sqrt3A = math.sqrt %max3A_41 : vector<1x1xf32>
    %tanh3A = math.tanh %sqrt3A : vector<1x1xf32>
    %min3A = arith.constant 0.999989986 : f32
    %min3A_42 = vector.broadcast %min3A : f32 to vector<1x1xf32>
    %min3A_43 = arith.minimumf %tanh3A, %min3A_42 : vector<1x1xf32>
    %mul3A_44 = vector.broadcast %min3A_43 : vector<1x1xf32> to vector<64x1xf32>
    %mul3A_45 = arith.mulf %mul3A_44, %get3A_36 : vector<64x1xf32>
    %div3A = vector.broadcast %sqrt3A : vector<1x1xf32> to vector<64x1xf32>
    %div3A_46 = arith.divf %mul3A_45, %div3A : vector<64x1xf32>
    %mul3A_47 = arith.mulf %div3A_46, %div3A_46 : vector<64x1xf32>
    %reduce_sum3A_48 = arith.constant dense<0.000000e+00> : vector<1xf32>
    %reduce_sum3A_49 = vector.multi_reduction <add>, %mul3A_47, %reduce_sum3A_48 [0] : vector<64x1xf32> to vector<1xf32>
    %broadcast_in_dim3A_50 = vector.shape_cast %reduce_sum3A_49 : vector<1xf32> to vector<1x1xf32>
    %get3A_51 = arith.constant 0 : index
    %get3A_52 = arith.constant 0 : index
    %get3A_53 = vector.load %arg5[%get3A_51, %get3A_52] : memref<64x1xf32, #tpu.memory_space<vmem>>, vector<64x1xf32>
    %get3A_54 = arith.constant 0 : index
    %get3A_55 = arith.constant 0 : index
    %get3A_56 = vector.load %arg6[%get3A_54, %get3A_55] : memref<64x1xf32, #tpu.memory_space<vmem>>, vector<64x1xf32>
    %slice3A_57 = vector.extract_strided_slice %dot_general3A_33 {offsets = [0, 0], sizes = [64, 2048], strides = [1, 1]} : vector<128x2048xf32> to vector<64x2048xf32>
    %add3A_58 = vector.broadcast %dot_general3A_31 : vector<64x1xf32> to vector<64x2048xf32>
    %add3A_59 = arith.addf %slice3A_57, %add3A_58 : vector<64x2048xf32>
    %slice3A_60 = vector.extract_strided_slice %add3A {offsets = [0, 0], sizes = [1, 2048], strides = [1, 1]} : vector<2x2048xf32> to vector<1x2048xf32>
    %add3A_61 = vector.broadcast %mul3A_19 : vector<1x1xf32> to vector<1x2048xf32>
    %add3A_62 = arith.addf %slice3A_60, %add3A_61 : vector<1x2048xf32>
    %mul3A_63 = arith.mulf %add3A_59, %add3A_59 : vector<64x2048xf32>
    %reduce_sum3A_64 = arith.constant dense<0.000000e+00> : vector<2048xf32>
    %reduce_sum3A_65 = vector.multi_reduction <add>, %mul3A_63, %reduce_sum3A_64 [0] : vector<64x2048xf32> to vector<2048xf32>
    %broadcast_in_dim3A_66 = vector.shape_cast %reduce_sum3A_65 : vector<2048xf32> to vector<1x2048xf32>
    %jit3A_67 = arith.constant 1.000000e-15 : f32
    %max3A_68 = vector.broadcast %jit3A_67 : f32 to vector<1x2048xf32>
    %max3A_69 = arith.maximumf %max3A_68, %add3A_62 : vector<1x2048xf32>
    %sqrt3A_70 = math.sqrt %max3A_69 : vector<1x2048xf32>
    %jit3A_71 = arith.constant 1.000000e-15 : f32
    %max3A_72 = vector.broadcast %jit3A_71 : f32 to vector<1x2048xf32>
    %max3A_73 = arith.maximumf %max3A_72, %broadcast_in_dim3A_66 : vector<1x2048xf32>
    %sqrt3A_74 = math.sqrt %max3A_73 : vector<1x2048xf32>
    %div3A_75 = arith.divf %sqrt3A_74, %sqrt3A_70 : vector<1x2048xf32>
    %min3A_76 = arith.constant 6.10303401 : f32
    %min3A_77 = vector.broadcast %min3A_76 : f32 to vector<1x2048xf32>
    %min3A_78 = arith.minimumf %sqrt3A_70, %min3A_77 : vector<1x2048xf32>
    %mul3A_79 = arith.mulf %div3A_75, %min3A_78 : vector<1x2048xf32>
    %tanh3A_80 = math.tanh %mul3A_79 : vector<1x2048xf32>
    %min3A_81 = arith.constant 0.999989986 : f32
    %min3A_82 = vector.broadcast %min3A_81 : f32 to vector<1x2048xf32>
    %min3A_83 = arith.minimumf %tanh3A_80, %min3A_82 : vector<1x2048xf32>
    %dot_general3A_84 = arith.constant dense<0.000000e+00> : vector<1x2048xf32>
    %dot_general3A_85 = tpu.matmul %div3A_46, %add3A_59, %dot_general3A_84 {dimension_numbers = #tpu.dot_dimension_numbers<[0], [0], [1], [1], [0, 1, 1, 1], [], []>, transpose_lhs_hint = false} : vector<64x1xf32>, vector<64x2048xf32>, vector<1x2048xf32> -> vector<1x2048xf32>
    %mul3A_86 = arith.mulf %min3A_83, %dot_general3A_85 : vector<1x2048xf32>
    %div3A_87 = arith.divf %mul3A_86, %sqrt3A_74 : vector<1x2048xf32>
    %mul3A_88 = arith.mulf %min3A_83, %min3A_83 : vector<1x2048xf32>
    %mul3A_89 = arith.constant 2.000000e+00 : f32
    %mul3A_90 = vector.broadcast %mul3A_89 : f32 to vector<1x2048xf32>
    %mul3A_91 = arith.mulf %mul3A_90, %div3A_87 : vector<1x2048xf32>
    %add3A_92 = arith.constant 1.000000e+00 : f32
    %add3A_93 = vector.broadcast %add3A_92 : f32 to vector<1x2048xf32>
    %add3A_94 = arith.addf %add3A_93, %mul3A_91 : vector<1x2048xf32>
    %add3A_95 = vector.broadcast %broadcast_in_dim3A_50 : vector<1x1xf32> to vector<1x2048xf32>
    %add3A_96 = arith.addf %add3A_94, %add3A_95 : vector<1x2048xf32>
    %div3A_97 = arith.divf %min3A_83, %sqrt3A_74 : vector<1x2048xf32>
    %mul3A_98 = arith.mulf %add3A_96, %div3A_97 : vector<1x2048xf32>
    %mul3A_99 = vector.broadcast %mul3A_98 : vector<1x2048xf32> to vector<64x2048xf32>
    %mul3A_100 = arith.mulf %mul3A_99, %add3A_59 : vector<64x2048xf32>
    %sub3A = arith.constant 1.000000e+00 : f32
    %sub3A_101 = vector.broadcast %sub3A : f32 to vector<1x2048xf32>
    %sub3A_102 = arith.subf %sub3A_101, %mul3A_88 : vector<1x2048xf32>
    %mul3A_103 = vector.broadcast %sub3A_102 : vector<1x2048xf32> to vector<64x2048xf32>
    %mul3A_104 = vector.broadcast %div3A_46 : vector<64x1xf32> to vector<64x2048xf32>
    %mul3A_105 = arith.mulf %mul3A_103, %mul3A_104 : vector<64x2048xf32>
    %add3A_106 = arith.addf %mul3A_100, %mul3A_105 : vector<64x2048xf32>
    %reduce_sum3A_107 = arith.constant dense<0.000000e+00> : vector<2048xf32>
    %reduce_sum3A_108 = vector.multi_reduction <add>, %add3A_106, %reduce_sum3A_107 [0] : vector<64x2048xf32> to vector<2048xf32>
    %broadcast_in_dim3A_109 = vector.shape_cast %reduce_sum3A_108 : vector<2048xf32> to vector<1x2048xf32>
    %div3A_110 = arith.constant 6.400000e+01 : f32
    %div3A_111 = vector.broadcast %div3A_110 : f32 to vector<1x2048xf32>
    %div3A_112 = arith.divf %broadcast_in_dim3A_109, %div3A_111 : vector<1x2048xf32>
    %sub3A_113 = vector.broadcast %div3A_112 : vector<1x2048xf32> to vector<64x2048xf32>
    %sub3A_114 = arith.subf %add3A_106, %sub3A_113 : vector<64x2048xf32>
    %mul3A_115 = arith.mulf %sub3A_114, %sub3A_114 : vector<64x2048xf32>
    %reduce_sum3A_116 = arith.constant dense<0.000000e+00> : vector<2048xf32>
    %reduce_sum3A_117 = vector.multi_reduction <add>, %mul3A_115, %reduce_sum3A_116 [0] : vector<64x2048xf32> to vector<2048xf32>
    %broadcast_in_dim3A_118 = vector.shape_cast %reduce_sum3A_117 : vector<2048xf32> to vector<1x2048xf32>
    %div3A_119 = arith.constant 6.400000e+01 : f32
    %div3A_120 = vector.broadcast %div3A_119 : f32 to vector<1x2048xf32>
    %div3A_121 = arith.divf %broadcast_in_dim3A_118, %div3A_120 : vector<1x2048xf32>
    %add3A_122 = arith.constant 9.99999974E-6 : f32
    %add3A_123 = vector.broadcast %add3A_122 : f32 to vector<1x2048xf32>
    %add3A_124 = arith.addf %div3A_121, %add3A_123 : vector<1x2048xf32>
    %sqrt3A_125 = math.sqrt %add3A_124 : vector<1x2048xf32>
    %div3A_126 = vector.broadcast %sqrt3A_125 : vector<1x2048xf32> to vector<64x2048xf32>
    %div3A_127 = arith.divf %sub3A_114, %div3A_126 : vector<64x2048xf32>
    %mul3A_128 = vector.broadcast %get3A_53 : vector<64x1xf32> to vector<64x2048xf32>
    %mul3A_129 = arith.mulf %div3A_127, %mul3A_128 : vector<64x2048xf32>
    %add3A_130 = vector.broadcast %get3A_56 : vector<64x1xf32> to vector<64x2048xf32>
    %add3A_131 = arith.addf %mul3A_129, %add3A_130 : vector<64x2048xf32>
    %slice3A_132 = vector.extract_strided_slice %dot_general3A_33 {offsets = [64, 0], sizes = [64, 2048], strides = [1, 1]} : vector<128x2048xf32> to vector<64x2048xf32>
    %add3A_133 = vector.broadcast %dot_general3A_31 : vector<64x1xf32> to vector<64x2048xf32>
    %add3A_134 = arith.addf %slice3A_132, %add3A_133 : vector<64x2048xf32>
    %slice3A_135 = vector.extract_strided_slice %add3A {offsets = [1, 0], sizes = [1, 2048], strides = [1, 1]} : vector<2x2048xf32> to vector<1x2048xf32>
    %add3A_136 = vector.broadcast %mul3A_19 : vector<1x1xf32> to vector<1x2048xf32>
    %add3A_137 = arith.addf %slice3A_135, %add3A_136 : vector<1x2048xf32>
    %mul3A_138 = arith.mulf %add3A_134, %add3A_134 : vector<64x2048xf32>
    %reduce_sum3A_139 = arith.constant dense<0.000000e+00> : vector<2048xf32>
    %reduce_sum3A_140 = vector.multi_reduction <add>, %mul3A_138, %reduce_sum3A_139 [0] : vector<64x2048xf32> to vector<2048xf32>
    %broadcast_in_dim3A_141 = vector.shape_cast %reduce_sum3A_140 : vector<2048xf32> to vector<1x2048xf32>
    %jit3A_142 = arith.constant 1.000000e-15 : f32
    %max3A_143 = vector.broadcast %jit3A_142 : f32 to vector<1x2048xf32>
    %max3A_144 = arith.maximumf %max3A_143, %add3A_137 : vector<1x2048xf32>
    %sqrt3A_145 = math.sqrt %max3A_144 : vector<1x2048xf32>
    %jit3A_146 = arith.constant 1.000000e-15 : f32
    %max3A_147 = vector.broadcast %jit3A_146 : f32 to vector<1x2048xf32>
    %max3A_148 = arith.maximumf %max3A_147, %broadcast_in_dim3A_141 : vector<1x2048xf32>
    %sqrt3A_149 = math.sqrt %max3A_148 : vector<1x2048xf32>
    %div3A_150 = arith.divf %sqrt3A_149, %sqrt3A_145 : vector<1x2048xf32>
    %min3A_151 = arith.constant 6.10303401 : f32
    %min3A_152 = vector.broadcast %min3A_151 : f32 to vector<1x2048xf32>
    %min3A_153 = arith.minimumf %sqrt3A_145, %min3A_152 : vector<1x2048xf32>
    %mul3A_154 = arith.mulf %div3A_150, %min3A_153 : vector<1x2048xf32>
    %tanh3A_155 = math.tanh %mul3A_154 : vector<1x2048xf32>
    %min3A_156 = arith.constant 0.999989986 : f32
    %min3A_157 = vector.broadcast %min3A_156 : f32 to vector<1x2048xf32>
    %min3A_158 = arith.minimumf %tanh3A_155, %min3A_157 : vector<1x2048xf32>
    %dot_general3A_159 = arith.constant dense<0.000000e+00> : vector<1x2048xf32>
    %dot_general3A_160 = tpu.matmul %div3A_46, %add3A_134, %dot_general3A_159 {dimension_numbers = #tpu.dot_dimension_numbers<[0], [0], [1], [1], [0, 1, 1, 1], [], []>, transpose_lhs_hint = false} : vector<64x1xf32>, vector<64x2048xf32>, vector<1x2048xf32> -> vector<1x2048xf32>
    %mul3A_161 = arith.mulf %min3A_158, %dot_general3A_160 : vector<1x2048xf32>
    %div3A_162 = arith.divf %mul3A_161, %sqrt3A_149 : vector<1x2048xf32>
    %mul3A_163 = arith.mulf %min3A_158, %min3A_158 : vector<1x2048xf32>
    %mul3A_164 = arith.constant 2.000000e+00 : f32
    %mul3A_165 = vector.broadcast %mul3A_164 : f32 to vector<1x2048xf32>
    %mul3A_166 = arith.mulf %mul3A_165, %div3A_162 : vector<1x2048xf32>
    %add3A_167 = arith.constant 1.000000e+00 : f32
    %add3A_168 = vector.broadcast %add3A_167 : f32 to vector<1x2048xf32>
    %add3A_169 = arith.addf %add3A_168, %mul3A_166 : vector<1x2048xf32>
    %add3A_170 = vector.broadcast %broadcast_in_dim3A_50 : vector<1x1xf32> to vector<1x2048xf32>
    %add3A_171 = arith.addf %add3A_169, %add3A_170 : vector<1x2048xf32>
    %div3A_172 = arith.divf %min3A_158, %sqrt3A_149 : vector<1x2048xf32>
    %mul3A_173 = arith.mulf %add3A_171, %div3A_172 : vector<1x2048xf32>
    %mul3A_174 = vector.broadcast %mul3A_173 : vector<1x2048xf32> to vector<64x2048xf32>
    %mul3A_175 = arith.mulf %mul3A_174, %add3A_134 : vector<64x2048xf32>
    %sub3A_176 = arith.constant 1.000000e+00 : f32
    %sub3A_177 = vector.broadcast %sub3A_176 : f32 to vector<1x2048xf32>
    %sub3A_178 = arith.subf %sub3A_177, %mul3A_163 : vector<1x2048xf32>
    %mul3A_179 = vector.broadcast %sub3A_178 : vector<1x2048xf32> to vector<64x2048xf32>
    %mul3A_180 = vector.broadcast %div3A_46 : vector<64x1xf32> to vector<64x2048xf32>
    %mul3A_181 = arith.mulf %mul3A_179, %mul3A_180 : vector<64x2048xf32>
    %add3A_182 = arith.addf %mul3A_175, %mul3A_181 : vector<64x2048xf32>
    %reduce_sum3A_183 = arith.constant dense<0.000000e+00> : vector<2048xf32>
    %reduce_sum3A_184 = vector.multi_reduction <add>, %add3A_182, %reduce_sum3A_183 [0] : vector<64x2048xf32> to vector<2048xf32>
    %broadcast_in_dim3A_185 = vector.shape_cast %reduce_sum3A_184 : vector<2048xf32> to vector<1x2048xf32>
    %div3A_186 = arith.constant 6.400000e+01 : f32
    %div3A_187 = vector.broadcast %div3A_186 : f32 to vector<1x2048xf32>
    %div3A_188 = arith.divf %broadcast_in_dim3A_185, %div3A_187 : vector<1x2048xf32>
    %sub3A_189 = vector.broadcast %div3A_188 : vector<1x2048xf32> to vector<64x2048xf32>
    %sub3A_190 = arith.subf %add3A_182, %sub3A_189 : vector<64x2048xf32>
    %mul3A_191 = arith.mulf %sub3A_190, %sub3A_190 : vector<64x2048xf32>
    %reduce_sum3A_192 = arith.constant dense<0.000000e+00> : vector<2048xf32>
    %reduce_sum3A_193 = vector.multi_reduction <add>, %mul3A_191, %reduce_sum3A_192 [0] : vector<64x2048xf32> to vector<2048xf32>
    %broadcast_in_dim3A_194 = vector.shape_cast %reduce_sum3A_193 : vector<2048xf32> to vector<1x2048xf32>
    %div3A_195 = arith.constant 6.400000e+01 : f32
    %div3A_196 = vector.broadcast %div3A_195 : f32 to vector<1x2048xf32>
    %div3A_197 = arith.divf %broadcast_in_dim3A_194, %div3A_196 : vector<1x2048xf32>
    %add3A_198 = arith.constant 9.99999974E-6 : f32
    %add3A_199 = vector.broadcast %add3A_198 : f32 to vector<1x2048xf32>
    %add3A_200 = arith.addf %div3A_197, %add3A_199 : vector<1x2048xf32>
    %sqrt3A_201 = math.sqrt %add3A_200 : vector<1x2048xf32>
    %div3A_202 = vector.broadcast %sqrt3A_201 : vector<1x2048xf32> to vector<64x2048xf32>
    %div3A_203 = arith.divf %sub3A_190, %div3A_202 : vector<64x2048xf32>
    %mul3A_204 = vector.broadcast %get3A_53 : vector<64x1xf32> to vector<64x2048xf32>
    %mul3A_205 = arith.mulf %div3A_203, %mul3A_204 : vector<64x2048xf32>
    %add3A_206 = vector.broadcast %get3A_56 : vector<64x1xf32> to vector<64x2048xf32>
    %add3A_207 = arith.addf %mul3A_205, %add3A_206 : vector<64x2048xf32>
    %concatenate3A_208 = tpu.concatenate %add3A_131, %add3A_207 in 1 : vector<64x2048xf32>, vector<64x2048xf32> -> vector<64x4096xf32>
    %reshape3A = vector.shape_cast %concatenate3A_208 : vector<64x4096xf32> to vector<1x64x4096xf32>
    %swap3A = arith.constant 0 : index
    %swap3A_209 = arith.constant 0 : index
    %swap3A_210 = arith.constant 0 : index
    %swap3A_211 = vector.load %arg7[%swap3A, %swap3A_209, %swap3A_210] : memref<1x64x4096xf32, #tpu.memory_space<vmem>>, vector<1x64x4096xf32>
    tpu.vector_store %arg7[%swap3A, %swap3A_209, %swap3A_210], %reshape3A {strides = array<i32>} : memref<1x64x4096xf32, #tpu.memory_space<vmem>>, vector<1x64x4096xf32>,
    return
  }
  func.func @transform_0(%arg0: i32) -> (i32, i32) {
    %c0_i32 = arith.constant 0 : i32
    %c0_i32_0 = arith.constant 0 : i32
    return %arg0, %c0_i32 : i32, i32
  }
  func.func @transform_1(%arg0: i32) -> (i32, i32, i32) {
    %c0_i32 = arith.constant 0 : i32
    %c0_i32_0 = arith.constant 0 : i32
    %c0_i32_1 = arith.constant 0 : i32
    return %arg0, %c0_i32, %c0_i32_0 : i32, i32, i32
  }
  func.func @transform_2(%arg0: i32) -> (i32, i32) {
    %c0_i32 = arith.constant 0 : i32
    %c0_i32_0 = arith.constant 0 : i32
    %c0_i32_1 = arith.constant 0 : i32
    return %c0_i32, %c0_i32_0 : i32, i32
  }
  func.func @transform_3(%arg0: i32) -> (i32, i32) {
    %c0_i32 = arith.constant 0 : i32
    %c0_i32_0 = arith.constant 0 : i32
    %c0_i32_1 = arith.constant 0 : i32
    return %c0_i32, %c0_i32_0 : i32, i32
  }
  func.func @transform_4(%arg0: i32) -> (i32, i32) {
    %c0_i32 = arith.constant 0 : i32
    %c0_i32_0 = arith.constant 0 : i32
    %c0_i32_1 = arith.constant 0 : i32
    return %c0_i32, %c0_i32_0 : i32, i32
  }
  func.func @transform_5(%arg0: i32) -> (i32, i32) {
    %c0_i32 = arith.constant 0 : i32
    %c0_i32_0 = arith.constant 0 : i32
    %c0_i32_1 = arith.constant 0 : i32
    return %c0_i32, %c0_i32_0 : i32, i32
  }
  func.func @transform_6(%arg0: i32) -> (i32, i32, i32) {
    %c0_i32 = arith.constant 0 : i32
    %c0_i32_0 = arith.constant 0 : i32
    %c0_i32_1 = arith.constant 0 : i32
    return %arg0, %c0_i32, %c0_i32_0 : i32, i32, i32
  }
}

</mosaic_0001>

<sc_bundles>
// kernel: kernel.4.cloned.1.call-start
scs
__scs_entry_jumppad:
0x0: {  	(pc) =	sbr.rel $0x88, $3  }
0x1: {  	(tag) =	ssettag $0x0;
	lr =	simm.s32 $0x1  }
0x2: {  	[smem:$0x3F9B] =	sst lr;
	_ =	strace $0xD0000000  }
0x3: {  	_ = 	snop  }
0x4: {  	_ = 	snop  }
0x5: {  	_ = 	snop  }
0x6: {  	_ = 	snop  }
0x7: {  	_ = 	snop  }
__scs_overlays_trampoline_lowered:
0x8: {  	[smem:$0x3FAA] =	sst s0  }
0x9: {  	[smem:$0x3FAB] =	sst s1  }
0xa: {  	[smem:$0x3FAC] =	sst s2  }
0xb: {  	[smem:$0x3FAD] =	sst s3  }
0xc: {  	[smem:$0x3FAE] =	sst s4  }
0xd: {  	[smem:$0x3FAF] =	sst s5  }
0xe: {  	[smem:$0x3FB0] =	sst s6  }
0xf: {  	[smem:$0x3FB1] =	sst s7  }
0x10: {  	[smem:$0x3FB2] =	sst s8  }
0x11: {  	[smem:$0x3FB3] =	sst s9;
	s0 =	simm.s32 @!p0 $0x0  }
0x12: {  	s1 =	sld [smem:$0x3F99];
	s0 =	simm.s32 @p0 $0x1  }
0x13: {  	[smem:$0x3FB4] =	sst s0;
	s0 =	simm.s32 @!p1 $0x0  }
0x14: {  	s2 =	sld [smem:$0x3F98];
	s0 =	simm.s32 @p1 $0x1  }
0x15: {  	[smem:$0x3FB5] =	sst s0;
	s0 =	simm.s32 @!p2 $0x0  }
0x16: {  	s3 =	sld [smem:$0x3FDB];
	s0 =	simm.s32 @p2 $0x1  }
0x17: {  	s4 =	simm.s32 $0x1BF5;
	[smem:$0x3FB7] =	sst s0  }
0x18: {  	s0 =	sld [smem:$0x3F9A];
	_ =	swait.ge [sflag:s4], $0x0  }
0x19: {  	s7 =	sld [smem:$0x3F9B]  }
0x1a: {  	s8 =	sadd.s32 $0xFFFFE003, lr  }
0x1b: {  	s9 =	sadd.s32 $0xFFFFFEF7, lr;
	s5 =	simm.s32 $0xFFFFFFFF;
	p2 =	slt.u32 s8, $0xFFFFF086  }
0x1c: {  	p1 =	slt.u32 s9, $0xF7A;
	s5 =	simm.s32 @!p2 $0x0  }
0x1d: {  	s5 =	simm.s32 @p1 $0x1;
	p0 =	seq.s32 s7, s2  }
0x1e: {  	s7 =	smul.u32 @!p0 $0xF7A, s2;
	p2 =	seq.s32 @!p0 s5, $0x0  }
0x1f: {  	s9 =	smul.u32 $0xF7A, s1;
	s8 =	simm.s32 @!p0 $0x1BF5;
	p2 =	por !p2, p0  }
0x20: {  	[sflag:s8] =	ssyncset.s32 @!p0 $0xFFFFF086;
	s6 =	sadd.s32 @!p0 s3, s7;
	s7 =	simm.s32 @!p0 $0x108  }
0x21: {  	s3 =	sadd.s32 s3, s9;
	s6 =	sadd.s32 @!p0 $0x88, s6;
	s7 =	simm.s32 @p2 $0x1082  }
0x22: {  	[simem:s7], [sflag:s8] =	dma.local @!p0 [hbm:s6], $0xF7A  }
0x23: {  	s9 =	sor.u32 $0xD0000000, s2;
	s6 =	simm.s32 $0x108;
	_ =	swait.ge @!p0 [sflag:s8], $0x0  }
0x24: {  	s3 =	sadd.s32 $0x88, s3;
	s6 =	simm.s32 @!p1 $0x1082;
	[sflag:s4] =	ssyncset.s32 $0xFFFFF086  }
0x25: {  	[simem:s6], [sflag:s4] =	dma.local [hbm:s3], $0xF7A  }
0x26: {  	[smem:$0x3F9B] =	sst s1;
	(tag) =	ssettag s2;
	_ =	strace s9  }
0x27: {  	s1 =	sld [smem:$0x3FAB]  }
0x28: {  	s2 =	sld [smem:$0x3FAC]  }
0x29: {  	s4 =	sld [smem:$0x3FAE]  }
0x2a: {  	p0 =	seq.s32 s5, $0x0;
	s5 =	sld [smem:$0x3FAF]  }
0x2b: {  	s6 =	sld [smem:$0x3FB0]  }
0x2c: {  	s7 =	sld [smem:$0x3FB1]  }
0x2d: {  	s3 =	simm.s32 $0x108;
	s8 =	sld [smem:$0x3FB2]  }
0x2e: {  	s3 =	simm.s32 @!p0 $0x1082;
	s9 =	sld [smem:$0x3FB3]  }
0x2f: {  	lr =	sadd.s32 s0, s3;
	s0 =	sld [smem:$0x3FAA]  }
0x30: {  	s3 =	sld [smem:$0x3FAD]  }
0x31: {  	[smem:$0x3FB6] =	sst s10  }
0x32: {  	s10 =	sld [smem:$0x3FB4];
	_ =	sdelay $0x3  }
0x33: {  	p0 =	seq.s32 s10, $0x1;
	s10 =	sld [smem:$0x3FB6];
	_ =	sdelay $0x3  }
0x34: {  	[smem:$0x3FB6] =	sst s10  }
0x35: {  	s10 =	sld [smem:$0x3FB5];
	_ =	sdelay $0x3  }
0x36: {  	p1 =	seq.s32 s10, $0x1;
	s10 =	sld [smem:$0x3FB6];
	_ =	sdelay $0x3  }
0x37: {  	[smem:$0x3FB6] =	sst s10  }
0x38: {  	s10 =	sld [smem:$0x3FB7]  }
0x39: {  	_ = 	snop;
	(pc) =	sbr.ind lr, $3  }
0x3a: {  	_ = 	snop  }
0x3b: {  	_ = 	snop  }
0x3c: {  	p2 =	seq.s32 s10, $0x1;
	s10 =	sld [smem:$0x3FB6]  }
0x3d: {  	_ =	shalt  }
0x3e: {  	_ =	shalt  }
0x3f: {  	_ =	shalt  }
0x40: {  	_ =	shalt  }
0x41: {  	_ =	shalt  }
0x42: {  	_ =	shalt  }
0x43: {  	_ =	shalt  }
0x44: {  	_ =	shalt  }
0x45: {  	_ =	shalt  }
0x46: {  	_ =	shalt  }
0x47: {  	_ =	shalt  }
0x48: {  	_ =	shalt  }
0x49: {  	_ =	shalt  }
0x4a: {  	_ =	shalt  }
0x4b: {  	_ =	shalt  }
0x4c: {  	_ =	shalt  }
0x4d: {  	_ =	shalt  }
0x4e: {  	_ =	shalt  }
0x4f: {  	_ =	shalt  }
0x50: {  	_ =	shalt  }
0x51: {  	_ =	shalt  }
0x52: {  	_ =	shalt  }
0x53: {  	_ =	shalt  }
0x54: {  	_ =	shalt  }
0x55: {  	_ =	shalt  }
0x56: {  	_ =	shalt  }
0x57: {  	_ =	shalt  }
0x58: {  	_ =	shalt  }
0x59: {  	_ =	shalt  }
0x5a: {  	_ =	shalt  }
0x5b: {  	_ =	shalt  }
0x5c: {  	_ =	shalt  }
0x5d: {  	_ =	shalt  }
0x5e: {  	_ =	shalt  }
0x5f: {  	_ =	shalt  }
0x60: {  	_ =	shalt  }
0x61: {  	_ =	shalt  }
0x62: {  	_ =	shalt  }
0x63: {  	_ =	shalt  }
0x64: {  	_ =	shalt  }
0x65: {  	_ =	shalt  }
0x66: {  	_ =	shalt  }
0x67: {  	_ =	shalt  }
0x68: {  	_ =	shalt  }
0x69: {  	_ =	shalt  }
0x6a: {  	_ =	shalt  }
0x6b: {  	_ =	shalt  }
0x6c: {  	_ =	shalt  }
0x6d: {  	_ =	shalt  }
0x6e: {  	_ =	shalt  }
0x6f: {  	_ =	shalt  }
0x70: {  	_ =	shalt  }
0x71: {  	_ =	shalt  }
0x72: {  	_ =	shalt  }
0x73: {  	_ =	shalt  }
0x74: {  	_ =	shalt  }
0x75: {  	_ =	shalt  }
0x76: {  	_ =	shalt  }
0x77: {  	_ =	shalt  }
0x78: {  	_ =	shalt  }
0x79: {  	_ =	shalt  }
0x7a: {  	_ =	shalt  }
0x7b: {  	_ =	shalt  }
0x7c: {  	_ =	shalt  }
0x7d: {  	_ =	shalt  }
0x7e: {  	_ =	shalt  }
0x7f: {  	_ =	shalt  }
0x80: {  	_ =	shalt  }
0x81: {  	_ =	shalt  }
0x82: {  	_ =	shalt  }
0x83: {  	_ =	shalt  }
0x84: {  	_ =	shalt  }
0x85: {  	_ =	shalt  }
0x86: {  	_ =	shalt  }
0x87: {  	_ =	shalt  }
.Lfunc_end0:
.L_simem_size_0:
called_computation_lowered:
.L_overlay_start_0:
0x88: {  	s2 =	sld [smem:$0x3FD9]  }
0x89: {  	s3 =	sld [smem:$0x3FFE];
	_ =	sdelay $0x1  }
0x8a: {  	s1 =	srdreg.scid  }
0x8b: {  	s0 =	sand.u32 $0x1, s1  }
0x8c: {  	s16 =	sshll.u32 s0, $0xA;
	s2 =	sadd.s32 s3, s2  }
0x8d: {  	s2 =	sadd.s32 s2, s16  }
0x8e: {  	[smem:$0x3FC2] =	sst s2  }
0x8f: {  	_ = 	snop  }
0x90: {  	(tm) =	ssettm $0x1  }
0x91: {  	s17 =	sld [smem:$0x3FFB];
	_ =	sdelay $0x3  }
0x92: {  	_ =	strace s17  }
0x93: {  	s2 =	sld [smem:$0x3FFC];
	_ =	sdelay $0x3  }
0x94: {  	_ =	strace s2  }
0x95: {  	s2 =	sld [smem:$0x3FFD];
	_ =	sdelay $0x3  }
0x96: {  	_ =	strace s2  }
0x97: {  	_ =	strace $0x8FFFFFFF  }
0x98: {  	s18 =	sld [smem:$0x3FDB];
	_ =	sdelay $0x1  }
0x99: {  	s19 =	simm.s32 $_scs_section_size  }
0x9a: {  	s4 =	simm.s32 $_size__tile_overlayer_lowered;
	s5 =	simm.s32 $_tile_overlayer_lowered  }
0x9b: {  	s22 =	simm.s32 $0x1BFF;
	s21 =	sshll.u32 s5, $0x1;
	s2 =	sadd.s32 s19, s18  }
0x9c: {  	s6 =	simm.s32 $0x0;
	s20 =	sshll.u32 s4, $0x1;
	s4 =	sadd.s32 s21, s2  }
0x9d: {  	[timem:s6], [sflag:s22] =	dma.local [hbm:s4], s20  }
0x9e: {  	_ =	swait.ge [sflag:s22], s20  }
0x9f: {  	s3 =	ssub.s32 $0x0, s20;
	[sflag:s22] =	ssyncset.done $0x0  }
0xa0: {  	[sflag:s22] =	ssyncadd.s32 s3;
	_ =	sdelay $0x1  }
0xa1: {  	s23 =	simm.s32 $0x1B8B  }
0xa2: {  	_ =	swait.ge [sflag:s23], $0x1  }
0xa3: {  	[sflag:s23] =	ssyncset.done $0x0  }
0xa4: {  	s25 =	simm.s32 $0x1B8E;
	s24 =	sld [smem:$0x3FFE];
	[sflag:s23] =	ssyncadd.s32 $0xFFFFFFFF  }
0xa5: {  	s26 =	simm.s32 $execute0_lowered;
	[smem:$0x3FD2] =	sst s25  }
0xa6: {  	s4 =	sshll.u32 s26, $0x1;
	_ =	strace $0x80000046;
	[dreg:$0x1] =	wrdreg $0xFFFFFFFF  }
0xa7: {  	s28 =	simm.s32 $_size_execute0_lowered;
	s2 =	sadd.s32 s2, s4;
	[dreg:$0x0] =	wrdreg $0x0  }
0xa8: {  	s4 =	sshll.u32 s28, $0x1;
	[dreg:$0x2] =	wrdreg s2  }
0xa9: {  	[dreg:$0x3] =	wrdreg s4  }
0xaa: {  	[dreg:$0x4] =	wrdreg $0xC0  }
0xab: {  	_ =	task [dreg:s6], $0x5FFFF  }
0xac: {  	[dreg:$0x1] =	wrdreg $0xFFFFFFFF  }
0xad: {  	[dreg:$0x0] =	wrdreg $0x60  }
0xae: {  	[dreg:$0x2] =	wrdreg s24  }
0xaf: {  	[dreg:$0x3] =	wrdreg $0x9  }
0xb0: {  	_ =	task.clear_ibuf [dreg:s6], $0x4FFFF;
	_ =	strace $0x90000046  }
0xb1: {  	s29 =	simm.s32 $0x9;
	_ =	strace $0x80000048  }
0xb2: {  	_ =	swait.ge [sflag:s29], $0x1  }
0xb3: {  	[sflag:s29] =	ssyncadd.s32 $0xFFFFFFFF  }
0xb4: {  	_ =	strace $0x90000048  }
0xb5: {  	_ =	sfence  }
0xb6: {  	s30 =	sld [smem:$0x0];
	_ =	sdelay $0x2  }
0xb7: {  	s31 =	sshll.u32 s1, $0xD;
	s1 =	sshrl.u32 s1, $0x2  }
0xb8: {  	s3 =	sand.u32 $0x4000, s31;
	s1 =	sadd.s32 s1, s30  }
0xb9: {  	s0 =	sor.u32 s3, s0;
	s1 =	sshll.u32 s1, $0x11  }
0xba: {  	s0 =	sor.u32 s1, s0  }
0xbb: {  	s0 =	sadd.s32 $0x8F2B, s0  }
0xbc: {  	[sflag:s0] =	ssyncadd.remote.s32 $0x1  }
0xbd: {  	_ =	sfence.sel $0xFFFF  }
0xbe: {  	[dreg:$0x0] =	wrdreg $0xFFFFFFFF;
	(pc) =	sbr.abs _section_cstart, $3  }
0xbf: {  	[dreg:$0x1] =	wrdreg $0xFFFFFFFF  }
0xc0: {  	_ =	task.clear_ibuf [dreg:s6], $0x2FFFF;
	_ =	strace $0x9FFFFFFF  }
0xc1: {  	(tm) =	ssettm $0x7FFFFFFF  }
tec
execute0_lowered:
.L_overlay_start_1:
0x0: {  	(tag) =	ssettag $0x1  }
0x1: {  	s3 =	rddreg [dreg:$0x0]  }
0x2: {  	s0 =	rddreg [dreg:$0x1];
	s2 =	simm.s32 $0x0  }
0x3: {  	s1 =	stileid.u32;
	s25 =	simm.s32 $0x100;
	[smem:$0x7FF] =	sst s2  }
0x4: {  	s26 =	simm.s32 $0x180;
	_ =	strace $0x80000047;
	[dreg:$0x3] =	wrdreg s25  }
0x5: {  	s5 =	srdreg.scid;
	s28 =	simm.s32 $0x200;
	[dreg:$0x4] =	wrdreg s26  }
0x6: {  	s29 =	simm.s32 $0x280;
	s30 =	simm.s32 $0x300;
	[dreg:$0x5] =	wrdreg s28  }
0x7: {  	s31 =	simm.s32 $0x380;
	s9 =	simm.s32 $0x400;
	[dreg:$0x6] =	wrdreg s29  }
0x8: {  	s10 =	simm.s32 $0x480;
	s11 =	simm.s32 $0x500;
	[dreg:$0x7] =	wrdreg s30  }
0x9: {  	s12 =	simm.s32 $0x580;
	s13 =	simm.s32 $0x600;
	[dreg:$0x8] =	wrdreg s31  }
0xa: {  	s14 =	simm.s32 $0x680;
	s15 =	simm.s32 $0x700;
	[dreg:$0x9] =	wrdreg s9  }
0xb: {  	s16 =	simm.s32 $0x780;
	s17 =	simm.s32 $0x800;
	[dreg:$0xa] =	wrdreg s10  }
0xc: {  	s18 =	simm.s32 $0x880;
	s19 =	simm.s32 $0x900;
	[dreg:$0xb] =	wrdreg s11  }
0xd: {  	s20 =	simm.s32 $0x980;
	s4 =	smul.u32 $0x1900, s1;
	[dreg:$0xc] =	wrdreg s12  }
0xe: {  	s6 =	smul.u32 $0x64000, s1;
	s5 =	sand.u32 $0x1, s5;
	[dreg:$0xd] =	wrdreg s13  }
0xf: {  	s7 =	smul.u32 $0x32000, s5;
	s23 =	ssub.s32 $0x2, s5;
	[dreg:$0xe] =	wrdreg s14  }
0x10: {  	s5 =	smul.u32 $0xC80, s5;
	s9 =	simm.s32 $0x2A00;
	[dreg:$0xf] =	wrdreg s15  }
0x11: {  	s10 =	simm.s32 $0x4A00;
	s11 =	simm.s32 $0x6A00;
	[dreg:$0x10] =	wrdreg s16  }
0x12: {  	s12 =	simm.s32 $0x1;
	s13 =	simm.s32 $0x5;
	[dreg:$0x11] =	wrdreg s17  }
0x13: {  	s14 =	simm.s32 $0x2;
	s15 =	simm.s32 $0x6;
	[dreg:$0x12] =	wrdreg s18  }
0x14: {  	s16 =	simm.s32 $0x3;
	s17 =	simm.s32 $0x7;
	[dreg:$0x13] =	wrdreg s19  }
0x15: {  	s18 =	simm.s32 $0x4;
	s19 =	simm.s32 $0x8;
	[dreg:$0x14] =	wrdreg s20  }
0x16: {  	s20 =	simm.s32 $0x0;
	s6 =	sadd.s32 s6, s3;
	s8 =	sadd.s32 s4, s3  }
0x17: {  	s3 =	sadd.s32 $0xF43400, s3;
	s24 =	sshrl.u32 s23, $0x1;
	s6 =	sadd.s32 s7, s6  }
0x18: {  	s4 =	ssub.s32 s23, s24;
	s5 =	sadd.s32 s5, s8;
	s7 =	simm.s32 $0x80  }
0x19: {  	s8 =	simm.s32 $0xA00;
	s6 =	sadd.s32 $0x1A000, s6;
	s4 =	smax.u32 s4, $0x1  }
0x1a: {  	s5 =	sadd.s32 $0x1000, s5;
	[dreg:$0x2] =	wrdreg s6;
	s6 =	simm.s32 $0x9  }
.LBB2_1:
0x1b: {  	[tilespmem:s2], [sflag:$0x9] =	stream.linear.gather [hbm4b:s5+s2], $0xA00, $0x38;
	[tilespmem:$0x8A00] =	vst v63  }
0x1c: {  	_ =	swait.ge [sflag:s6], $0xA00  }
0x1d: {  	[sflag:s6] =	ssyncset.done $0x0  }
0x1e: {  	[sflag:s6] =	ssyncadd.s32 $0xFFFFF600  }
0x1f: {  	[tilespmem:s8], [sflag:$0x1] =	stream.indirect.gather [hbm4b:s3+s7], $0x40, s2, s7, $0xb8;
	[tilespmem:$0x8A00] =	vst v63  }
0x20: {  	_ = 	snop  }
0x21: {  	[tilespmem:s9], [sflag:$0x2] =	stream.indirect.gather [hbm4b:s3+s7], $0x40, s7, s7, $0xb8;
	[tilespmem:$0x8A00] =	vst v63  }
0x22: {  	s21 =	rddreg [dreg:$0x3]  }
0x23: {  	[tilespmem:s10], [sflag:$0x3] =	stream.indirect.gather [hbm4b:s3+s7], $0x40, s21, s7, $0xb8;
	[tilespmem:$0x8A00] =	vst v63  }
0x24: {  	s22 =	rddreg [dreg:$0x4]  }
0x25: {  	[tilespmem:s11], [sflag:$0x4] =	stream.indirect.gather [hbm4b:s3+s7], $0x40, s22, s7, $0xb8;
	[tilespmem:$0x8A00] =	vst v63  }
0x26: {  	_ =	swait.ge [sflag:s12], $0x2000  }
0x27: {  	s29 =	rddreg [dreg:$0x2];
	[sflag:s12] =	ssyncset.done $0x0  }
0x28: {  	[sflag:s12] =	ssyncadd.s32 $0xFFFFE000;
	s21 =	sadd.s32 $0x0, s29  }
0x29: {  	[hbm4b:s21+s2] =	stream.linear.scatter [tilespmem:s8], [sflag:$0x5], $0x2000, $0x38;
	[tilespmem:$0x8A00] =	vst v63  }
0x2a: {  	_ =	swait.ge [sflag:s13], $0x2000  }
0x2b: {  	[sflag:s13] =	ssyncset.done $0x0  }
0x2c: {  	s30 =	rddreg [dreg:$0x5];
	[sflag:s13] =	ssyncadd.s32 $0xFFFFE000  }
0x2d: {  	[tilespmem:s8], [sflag:$0x1] =	stream.indirect.gather [hbm4b:s3+s7], $0x40, s30, s7, $0xb8;
	[tilespmem:$0x8A00] =	vst v63  }
0x2e: {  	_ =	swait.ge [sflag:s14], $0x2000  }
0x2f: {  	[sflag:s14] =	ssyncset.done $0x0  }
0x30: {  	s31 =	sadd.s32 $0x400, s21;
	[sflag:s14] =	ssyncadd.s32 $0xFFFFE000  }
0x31: {  	[hbm4b:s31+s2] =	stream.linear.scatter [tilespmem:s9], [sflag:$0x6], $0x2000, $0x38;
	[tilespmem:$0x8A00] =	vst v63  }
0x32: {  	_ =	swait.ge [sflag:s15], $0x2000  }
0x33: {  	[sflag:s15] =	ssyncset.done $0x0  }
0x34: {  	s23 =	rddreg [dreg:$0x6];
	[sflag:s15] =	ssyncadd.s32 $0xFFFFE000  }
0x35: {  	[tilespmem:s9], [sflag:$0x2] =	stream.indirect.gather [hbm4b:s3+s7], $0x40, s23, s7, $0xb8;
	[tilespmem:$0x8A00] =	vst v63  }
0x36: {  	_ =	swait.ge [sflag:s16], $0x2000  }
0x37: {  	[sflag:s16] =	ssyncset.done $0x0  }
0x38: {  	s24 =	sadd.s32 $0x800, s21;
	[sflag:s16] =	ssyncadd.s32 $0xFFFFE000  }
0x39: {  	[hbm4b:s24+s2] =	stream.linear.scatter [tilespmem:s10], [sflag:$0x7], $0x2000, $0x38;
	[tilespmem:$0x8A00] =	vst v63  }
0x3a: {  	_ =	swait.ge [sflag:s17], $0x2000  }
0x3b: {  	[sflag:s17] =	ssyncset.done $0x0  }
0x3c: {  	s25 =	rddreg [dreg:$0x7];
	[sflag:s17] =	ssyncadd.s32 $0xFFFFE000  }
0x3d: {  	[tilespmem:s10], [sflag:$0x3] =	stream.indirect.gather [hbm4b:s3+s7], $0x40, s25, s7, $0xb8;
	[tilespmem:$0x8A00] =	vst v63  }
0x3e: {  	_ =	swait.ge [sflag:s18], $0x2000  }
0x3f: {  	[sflag:s18] =	ssyncset.done $0x0  }
0x40: {  	s26 =	sadd.s32 $0xC00, s21;
	[sflag:s18] =	ssyncadd.s32 $0xFFFFE000  }
0x41: {  	[hbm4b:s26+s2] =	stream.linear.scatter [tilespmem:s11], [sflag:$0x8], $0x2000, $0x38;
	[tilespmem:$0x8A00] =	vst v63  }
0x42: {  	_ =	swait.ge [sflag:s19], $0x2000  }
0x43: {  	[sflag:s19] =	ssyncset.done $0x0  }
0x44: {  	s28 =	rddreg [dreg:$0x8];
	[sflag:s19] =	ssyncadd.s32 $0xFFFFE000  }
0x45: {  	[tilespmem:s11], [sflag:$0x4] =	stream.indirect.gather [hbm4b:s3+s7], $0x40, s28, s7, $0xb8;
	[tilespmem:$0x8A00] =	vst v63  }
0x46: {  	_ =	swait.ge [sflag:s12], $0x2000  }
0x47: {  	[sflag:s12] =	ssyncset.done $0x0  }
0x48: {  	s29 =	sadd.s32 $0x1000, s21;
	[sflag:s12] =	ssyncadd.s32 $0xFFFFE000  }
0x49: {  	[hbm4b:s29+s2] =	stream.linear.scatter [tilespmem:s8], [sflag:$0x5], $0x2000, $0x38;
	[tilespmem:$0x8A00] =	vst v63  }
0x4a: {  	_ =	swait.ge [sflag:s13], $0x2000  }
0x4b: {  	[sflag:s13] =	ssyncset.done $0x0  }
0x4c: {  	s30 =	rddreg [dreg:$0x9];
	[sflag:s13] =	ssyncadd.s32 $0xFFFFE000  }
0x4d: {  	[tilespmem:s8], [sflag:$0x1] =	stream.indirect.gather [hbm4b:s3+s7], $0x40, s30, s7, $0xb8;
	[tilespmem:$0x8A00] =	vst v63  }
0x4e: {  	_ =	swait.ge [sflag:s14], $0x2000  }
0x4f: {  	[sflag:s14] =	ssyncset.done $0x0  }
0x50: {  	s31 =	sadd.s32 $0x1400, s21;
	[sflag:s14] =	ssyncadd.s32 $0xFFFFE000  }
0x51: {  	[hbm4b:s31+s2] =	stream.linear.scatter [tilespmem:s9], [sflag:$0x6], $0x2000, $0x38;
	[tilespmem:$0x8A00] =	vst v63  }
0x52: {  	_ =	swait.ge [sflag:s15], $0x2000  }
0x53: {  	[sflag:s15] =	ssyncset.done $0x0  }
0x54: {  	s23 =	rddreg [dreg:$0xa];
	[sflag:s15] =	ssyncadd.s32 $0xFFFFE000  }
0x55: {  	[tilespmem:s9], [sflag:$0x2] =	stream.indirect.gather [hbm4b:s3+s7], $0x40, s23, s7, $0xb8;
	[tilespmem:$0x8A00] =	vst v63  }
0x56: {  	_ =	swait.ge [sflag:s16], $0x2000  }
0x57: {  	[sflag:s16] =	ssyncset.done $0x0  }
0x58: {  	s24 =	sadd.s32 $0x1800, s21;
	[sflag:s16] =	ssyncadd.s32 $0xFFFFE000  }
0x59: {  	[hbm4b:s24+s2] =	stream.linear.scatter [tilespmem:s10], [sflag:$0x7], $0x2000, $0x38;
	[tilespmem:$0x8A00] =	vst v63  }
0x5a: {  	_ =	swait.ge [sflag:s17], $0x2000  }
0x5b: {  	[sflag:s17] =	ssyncset.done $0x0  }
0x5c: {  	s25 =	rddreg [dreg:$0xb];
	[sflag:s17] =	ssyncadd.s32 $0xFFFFE000  }
0x5d: {  	[tilespmem:s10], [sflag:$0x3] =	stream.indirect.gather [hbm4b:s3+s7], $0x40, s25, s7, $0xb8;
	[tilespmem:$0x8A00] =	vst v63  }
0x5e: {  	_ =	swait.ge [sflag:s18], $0x2000  }
0x5f: {  	[sflag:s18] =	ssyncset.done $0x0  }
0x60: {  	s26 =	sadd.s32 $0x1C00, s21;
	[sflag:s18] =	ssyncadd.s32 $0xFFFFE000  }
0x61: {  	[hbm4b:s26+s2] =	stream.linear.scatter [tilespmem:s11], [sflag:$0x8], $0x2000, $0x38;
	[tilespmem:$0x8A00] =	vst v63  }
0x62: {  	_ =	swait.ge [sflag:s19], $0x2000  }
0x63: {  	[sflag:s19] =	ssyncset.done $0x0  }
0x64: {  	s28 =	rddreg [dreg:$0xc];
	[sflag:s19] =	ssyncadd.s32 $0xFFFFE000  }
0x65: {  	[tilespmem:s11], [sflag:$0x4] =	stream.indirect.gather [hbm4b:s3+s7], $0x40, s28, s7, $0xb8;
	[tilespmem:$0x8A00] =	vst v63  }
0x66: {  	_ =	swait.ge [sflag:s12], $0x2000  }
0x67: {  	[sflag:s12] =	ssyncset.done $0x0  }
0x68: {  	s29 =	sadd.s32 $0x2000, s21;
	[sflag:s12] =	ssyncadd.s32 $0xFFFFE000  }
0x69: {  	[hbm4b:s29+s2] =	stream.linear.scatter [tilespmem:s8], [sflag:$0x5], $0x2000, $0x38;
	[tilespmem:$0x8A00] =	vst v63  }
0x6a: {  	_ =	swait.ge [sflag:s13], $0x2000  }
0x6b: {  	[sflag:s13] =	ssyncset.done $0x0  }
0x6c: {  	s30 =	rddreg [dreg:$0xd];
	[sflag:s13] =	ssyncadd.s32 $0xFFFFE000  }
0x6d: {  	[tilespmem:s8], [sflag:$0x1] =	stream.indirect.gather [hbm4b:s3+s7], $0x40, s30, s7, $0xb8;
	[tilespmem:$0x8A00] =	vst v63  }
0x6e: {  	_ =	swait.ge [sflag:s14], $0x2000  }
0x6f: {  	[sflag:s14] =	ssyncset.done $0x0  }
0x70: {  	s31 =	sadd.s32 $0x2400, s21;
	[sflag:s14] =	ssyncadd.s32 $0xFFFFE000  }
0x71: {  	[hbm4b:s31+s2] =	stream.linear.scatter [tilespmem:s9], [sflag:$0x6], $0x2000, $0x38;
	[tilespmem:$0x8A00] =	vst v63  }
0x72: {  	_ =	swait.ge [sflag:s15], $0x2000  }
0x73: {  	[sflag:s15] =	ssyncset.done $0x0  }
0x74: {  	s23 =	rddreg [dreg:$0xe];
	[sflag:s15] =	ssyncadd.s32 $0xFFFFE000  }
0x75: {  	[tilespmem:s9], [sflag:$0x2] =	stream.indirect.gather [hbm4b:s3+s7], $0x40, s23, s7, $0xb8;
	[tilespmem:$0x8A00] =	vst v63  }
0x76: {  	_ =	swait.ge [sflag:s16], $0x2000  }
0x77: {  	[sflag:s16] =	ssyncset.done $0x0  }
0x78: {  	s24 =	sadd.s32 $0x2800, s21;
	[sflag:s16] =	ssyncadd.s32 $0xFFFFE000  }
0x79: {  	[hbm4b:s24+s2] =	stream.linear.scatter [tilespmem:s10], [sflag:$0x7], $0x2000, $0x38;
	[tilespmem:$0x8A00] =	vst v63  }
0x7a: {  	_ =	swait.ge [sflag:s17], $0x2000  }
0x7b: {  	[sflag:s17] =	ssyncset.done $0x0  }
0x7c: {  	s25 =	rddreg [dreg:$0xf];
	[sflag:s17] =	ssyncadd.s32 $0xFFFFE000  }
0x7d: {  	[tilespmem:s10], [sflag:$0x3] =	stream.indirect.gather [hbm4b:s3+s7], $0x40, s25, s7, $0xb8;
	[tilespmem:$0x8A00] =	vst v63  }
0x7e: {  	_ =	swait.ge [sflag:s18], $0x2000  }
0x7f: {  	[sflag:s18] =	ssyncset.done $0x0  }
0x80: {  	s26 =	sadd.s32 $0x2C00, s21;
	[sflag:s18] =	ssyncadd.s32 $0xFFFFE000  }
0x81: {  	[hbm4b:s26+s2] =	stream.linear.scatter [tilespmem:s11], [sflag:$0x8], $0x2000, $0x38;
	[tilespmem:$0x8A00] =	vst v63  }
0x82: {  	_ =	swait.ge [sflag:s19], $0x2000  }
0x83: {  	[sflag:s19] =	ssyncset.done $0x0  }
0x84: {  	s28 =	rddreg [dreg:$0x10];
	[sflag:s19] =	ssyncadd.s32 $0xFFFFE000  }
0x85: {  	[tilespmem:s11], [sflag:$0x4] =	stream.indirect.gather [hbm4b:s3+s7], $0x40, s28, s7, $0xb8;
	[tilespmem:$0x8A00] =	vst v63  }
0x86: {  	_ =	swait.ge [sflag:s12], $0x2000  }
0x87: {  	[sflag:s12] =	ssyncset.done $0x0  }
0x88: {  	s29 =	sadd.s32 $0x3000, s21;
	[sflag:s12] =	ssyncadd.s32 $0xFFFFE000  }
0x89: {  	[hbm4b:s29+s2] =	stream.linear.scatter [tilespmem:s8], [sflag:$0x5], $0x2000, $0x38;
	[tilespmem:$0x8A00] =	vst v63  }
0x8a: {  	_ =	swait.ge [sflag:s13], $0x2000  }
0x8b: {  	[sflag:s13] =	ssyncset.done $0x0  }
0x8c: {  	s30 =	rddreg [dreg:$0x11];
	[sflag:s13] =	ssyncadd.s32 $0xFFFFE000  }
0x8d: {  	[tilespmem:s8], [sflag:$0x1] =	stream.indirect.gather [hbm4b:s3+s7], $0x40, s30, s7, $0xb8;
	[tilespmem:$0x8A00] =	vst v63  }
0x8e: {  	_ =	swait.ge [sflag:s14], $0x2000  }
0x8f: {  	[sflag:s14] =	ssyncset.done $0x0  }
0x90: {  	s31 =	sadd.s32 $0x3400, s21;
	[sflag:s14] =	ssyncadd.s32 $0xFFFFE000  }
0x91: {  	[hbm4b:s31+s2] =	stream.linear.scatter [tilespmem:s9], [sflag:$0x6], $0x2000, $0x38;
	[tilespmem:$0x8A00] =	vst v63  }
0x92: {  	_ =	swait.ge [sflag:s15], $0x2000  }
0x93: {  	[sflag:s15] =	ssyncset.done $0x0  }
0x94: {  	s23 =	rddreg [dreg:$0x12];
	[sflag:s15] =	ssyncadd.s32 $0xFFFFE000  }
0x95: {  	[tilespmem:s9], [sflag:$0x2] =	stream.indirect.gather [hbm4b:s3+s7], $0x40, s23, s7, $0xb8;
	[tilespmem:$0x8A00] =	vst v63  }
0x96: {  	_ =	swait.ge [sflag:s16], $0x2000  }
0x97: {  	[sflag:s16] =	ssyncset.done $0x0  }
0x98: {  	s24 =	sadd.s32 $0x3800, s21;
	[sflag:s16] =	ssyncadd.s32 $0xFFFFE000  }
0x99: {  	[hbm4b:s24+s2] =	stream.linear.scatter [tilespmem:s10], [sflag:$0x7], $0x2000, $0x38;
	[tilespmem:$0x8A00] =	vst v63  }
0x9a: {  	_ =	swait.ge [sflag:s17], $0x2000  }
0x9b: {  	[sflag:s17] =	ssyncset.done $0x0  }
0x9c: {  	s25 =	rddreg [dreg:$0x13];
	[sflag:s17] =	ssyncadd.s32 $0xFFFFE000  }
0x9d: {  	[tilespmem:s10], [sflag:$0x3] =	stream.indirect.gather [hbm4b:s3+s7], $0x40, s25, s7, $0xb8;
	[tilespmem:$0x8A00] =	vst v63  }
0x9e: {  	_ =	swait.ge [sflag:s18], $0x2000  }
0x9f: {  	[sflag:s18] =	ssyncset.done $0x0  }
0xa0: {  	s26 =	sadd.s32 $0x3C00, s21;
	[sflag:s18] =	ssyncadd.s32 $0xFFFFE000  }
0xa1: {  	[hbm4b:s26+s2] =	stream.linear.scatter [tilespmem:s11], [sflag:$0x8], $0x2000, $0x38;
	[tilespmem:$0x8A00] =	vst v63  }
0xa2: {  	_ =	swait.ge [sflag:s19], $0x2000  }
0xa3: {  	[sflag:s19] =	ssyncset.done $0x0  }
0xa4: {  	s28 =	rddreg [dreg:$0x14];
	[sflag:s19] =	ssyncadd.s32 $0xFFFFE000  }
0xa5: {  	[tilespmem:s11], [sflag:$0x4] =	stream.indirect.gather [hbm4b:s3+s7], $0x40, s28, s7, $0xb8;
	[tilespmem:$0x8A00] =	vst v63  }
0xa6: {  	_ =	swait.ge [sflag:s12], $0x2000  }
0xa7: {  	[sflag:s12] =	ssyncset.done $0x0  }
0xa8: {  	s29 =	sadd.s32 $0x4000, s21;
	[sflag:s12] =	ssyncadd.s32 $0xFFFFE000  }
0xa9: {  	[hbm4b:s29+s2] =	stream.linear.scatter [tilespmem:s8], [sflag:$0x5], $0x2000, $0x38;
	[tilespmem:$0x8A00] =	vst v63  }
0xaa: {  	_ =	swait.ge [sflag:s14], $0x2000  }
0xab: {  	[sflag:s14] =	ssyncset.done $0x0  }
0xac: {  	s30 =	sadd.s32 $0x4400, s21;
	[sflag:s14] =	ssyncadd.s32 $0xFFFFE000  }
0xad: {  	[hbm4b:s30+s2] =	stream.linear.scatter [tilespmem:s9], [sflag:$0x6], $0x2000, $0x38;
	[tilespmem:$0x8A00] =	vst v63  }
0xae: {  	_ =	swait.ge [sflag:s16], $0x2000  }
0xaf: {  	[sflag:s16] =	ssyncset.done $0x0  }
0xb0: {  	s31 =	sadd.s32 $0x4800, s21;
	[sflag:s16] =	ssyncadd.s32 $0xFFFFE000  }
0xb1: {  	[hbm4b:s31+s2] =	stream.linear.scatter [tilespmem:s10], [sflag:$0x7], $0x2000, $0x38;
	[tilespmem:$0x8A00] =	vst v63  }
0xb2: {  	_ =	swait.ge [sflag:s18], $0x2000  }
0xb3: {  	[sflag:s18] =	ssyncset.done $0x0  }
0xb4: {  	s21 =	sadd.s32 $0x4C00, s21;
	[sflag:s18] =	ssyncadd.s32 $0xFFFFE000  }
0xb5: {  	[hbm4b:s21+s2] =	stream.linear.scatter [tilespmem:s11], [sflag:$0x8], $0x2000, $0x38;
	[tilespmem:$0x8A00] =	vst v63  }
0xb6: {  	_ =	swait.ge [sflag:s13], $0x2000  }
0xb7: {  	[sflag:s13] =	ssyncset.done $0x0  }
0xb8: {  	[sflag:s13] =	ssyncadd.s32 $0xFFFFE000  }
0xb9: {  	_ =	swait.ge [sflag:s15], $0x2000  }
0xba: {  	[sflag:s15] =	ssyncset.done $0x0  }
0xbb: {  	[sflag:s15] =	ssyncadd.s32 $0xFFFFE000  }
0xbc: {  	_ =	swait.ge [sflag:s17], $0x2000  }
0xbd: {  	[sflag:s17] =	ssyncset.done $0x0  }
0xbe: {  	[sflag:s17] =	ssyncadd.s32 $0xFFFFE000  }
0xbf: {  	_ =	swait.ge [sflag:s19], $0x2000  }
0xc0: {  	s22 =	smov.u32 s5;
	s21 =	simm.s32 $0x5000;
	[sflag:s19] =	ssyncset.done $0x0  }
.LBB2_2:
0xc1: {  	[sflag:s19] =	ssyncadd.s32 $0xFFFFE000;
	s22 =	sadd.s32 $0x140, s22  }
0xc2: {  	[tilespmem:s2], [sflag:$0x9] =	stream.linear.gather [hbm4b:s22+s2], $0xA00, $0x38;
	[tilespmem:$0x8A00] =	vst v63  }
0xc3: {  	_ =	swait.ge [sflag:s6], $0xA00  }
0xc4: {  	[sflag:s6] =	ssyncset.done $0x0  }
0xc5: {  	[sflag:s6] =	ssyncadd.s32 $0xFFFFF600  }
0xc6: {  	[tilespmem:s8], [sflag:$0x1] =	stream.indirect.gather [hbm4b:s3+s7], $0x40, s2, s7, $0xb8;
	[tilespmem:$0x8A00] =	vst v63  }
0xc7: {  	_ = 	snop  }
0xc8: {  	[tilespmem:s9], [sflag:$0x2] =	stream.indirect.gather [hbm4b:s3+s7], $0x40, s7, s7, $0xb8;
	[tilespmem:$0x8A00] =	vst v63  }
0xc9: {  	s24 =	rddreg [dreg:$0x3]  }
0xca: {  	[tilespmem:s10], [sflag:$0x3] =	stream.indirect.gather [hbm4b:s3+s7], $0x40, s24, s7, $0xb8;
	[tilespmem:$0x8A00] =	vst v63  }
0xcb: {  	s25 =	rddreg [dreg:$0x4]  }
0xcc: {  	[tilespmem:s11], [sflag:$0x4] =	stream.indirect.gather [hbm4b:s3+s7], $0x40, s25, s7, $0xb8;
	[tilespmem:$0x8A00] =	vst v63  }
0xcd: {  	_ =	swait.ge [sflag:s12], $0x2000  }
0xce: {  	s23 =	smov.u32 s21;
	s26 =	rddreg [dreg:$0x2];
	[sflag:s12] =	ssyncset.done $0x0  }
0xcf: {  	[sflag:s12] =	ssyncadd.s32 $0xFFFFE000;
	s23 =	sadd.s32 s23, s26  }
0xd0: {  	[hbm4b:s23+s2] =	stream.linear.scatter [tilespmem:s8], [sflag:$0x5], $0x2000, $0x38;
	[tilespmem:$0x8A00] =	vst v63  }
0xd1: {  	_ =	swait.ge [sflag:s13], $0x2000  }
0xd2: {  	[sflag:s13] =	ssyncset.done $0x0  }
0xd3: {  	s28 =	rddreg [dreg:$0x5];
	[sflag:s13] =	ssyncadd.s32 $0xFFFFE000  }
0xd4: {  	[tilespmem:s8], [sflag:$0x1] =	stream.indirect.gather [hbm4b:s3+s7], $0x40, s28, s7, $0xb8;
	[tilespmem:$0x8A00] =	vst v63  }
0xd5: {  	_ =	swait.ge [sflag:s14], $0x2000  }
0xd6: {  	[sflag:s14] =	ssyncset.done $0x0  }
0xd7: {  	s29 =	sadd.s32 $0x400, s23;
	[sflag:s14] =	ssyncadd.s32 $0xFFFFE000  }
0xd8: {  	[hbm4b:s29+s2] =	stream.linear.scatter [tilespmem:s9], [sflag:$0x6], $0x2000, $0x38;
	[tilespmem:$0x8A00] =	vst v63  }
0xd9: {  	_ =	swait.ge [sflag:s15], $0x2000  }
0xda: {  	[sflag:s15] =	ssyncset.done $0x0  }
0xdb: {  	s30 =	rddreg [dreg:$0x6];
	[sflag:s15] =	ssyncadd.s32 $0xFFFFE000  }
0xdc: {  	[tilespmem:s9], [sflag:$0x2] =	stream.indirect.gather [hbm4b:s3+s7], $0x40, s30, s7, $0xb8;
	[tilespmem:$0x8A00] =	vst v63  }
0xdd: {  	_ =	swait.ge [sflag:s16], $0x2000  }
0xde: {  	[sflag:s16] =	ssyncset.done $0x0  }
0xdf: {  	s31 =	sadd.s32 $0x800, s23;
	[sflag:s16] =	ssyncadd.s32 $0xFFFFE000  }
0xe0: {  	[hbm4b:s31+s2] =	stream.linear.scatter [tilespmem:s10], [sflag:$0x7], $0x2000, $0x38;
	[tilespmem:$0x8A00] =	vst v63  }
0xe1: {  	_ =	swait.ge [sflag:s17], $0x2000  }
0xe2: {  	[sflag:s17] =	ssyncset.done $0x0  }
0xe3: {  	s25 =	rddreg [dreg:$0x7];
	[sflag:s17] =	ssyncadd.s32 $0xFFFFE000  }
0xe4: {  	[tilespmem:s10], [sflag:$0x3] =	stream.indirect.gather [hbm4b:s3+s7], $0x40, s25, s7, $0xb8;
	[tilespmem:$0x8A00] =	vst v63  }
0xe5: {  	_ =	swait.ge [sflag:s18], $0x2000  }
0xe6: {  	[sflag:s18] =	ssyncset.done $0x0  }
0xe7: {  	s26 =	sadd.s32 $0xC00, s23;
	[sflag:s18] =	ssyncadd.s32 $0xFFFFE000  }
0xe8: {  	[hbm4b:s26+s2] =	stream.linear.scatter [tilespmem:s11], [sflag:$0x8], $0x2000, $0x38;
	[tilespmem:$0x8A00] =	vst v63  }
0xe9: {  	_ =	swait.ge [sflag:s19], $0x2000  }
0xea: {  	[sflag:s19] =	ssyncset.done $0x0  }
0xeb: {  	s28 =	rddreg [dreg:$0x8];
	[sflag:s19] =	ssyncadd.s32 $0xFFFFE000  }
0xec: {  	[tilespmem:s11], [sflag:$0x4] =	stream.indirect.gather [hbm4b:s3+s7], $0x40, s28, s7, $0xb8;
	[tilespmem:$0x8A00] =	vst v63  }
0xed: {  	_ =	swait.ge [sflag:s12], $0x2000  }
0xee: {  	[sflag:s12] =	ssyncset.done $0x0  }
0xef: {  	s29 =	sadd.s32 $0x1000, s23;
	[sflag:s12] =	ssyncadd.s32 $0xFFFFE000  }
0xf0: {  	[hbm4b:s29+s2] =	stream.linear.scatter [tilespmem:s8], [sflag:$0x5], $0x2000, $0x38;
	[tilespmem:$0x8A00] =	vst v63  }
0xf1: {  	_ =	swait.ge [sflag:s13], $0x2000  }
0xf2: {  	[sflag:s13] =	ssyncset.done $0x0  }
0xf3: {  	s30 =	rddreg [dreg:$0x9];
	[sflag:s13] =	ssyncadd.s32 $0xFFFFE000  }
0xf4: {  	[tilespmem:s8], [sflag:$0x1] =	stream.indirect.gather [hbm4b:s3+s7], $0x40, s30, s7, $0xb8;
	[tilespmem:$0x8A00] =	vst v63  }
0xf5: {  	_ =	swait.ge [sflag:s14], $0x2000  }
0xf6: {  	[sflag:s14] =	ssyncset.done $0x0  }
0xf7: {  	s31 =	sadd.s32 $0x1400, s23;
	[sflag:s14] =	ssyncadd.s32 $0xFFFFE000  }
0xf8: {  	[hbm4b:s31+s2] =	stream.linear.scatter [tilespmem:s9], [sflag:$0x6], $0x2000, $0x38;
	[tilespmem:$0x8A00] =	vst v63  }
0xf9: {  	_ =	swait.ge [sflag:s15], $0x2000  }
0xfa: {  	[sflag:s15] =	ssyncset.done $0x0  }
0xfb: {  	s25 =	rddreg [dreg:$0xa];
	[sflag:s15] =	ssyncadd.s32 $0xFFFFE000  }
0xfc: {  	[tilespmem:s9], [sflag:$0x2] =	stream.indirect.gather [hbm4b:s3+s7], $0x40, s25, s7, $0xb8;
	[tilespmem:$0x8A00] =	vst v63  }
0xfd: {  	_ =	swait.ge [sflag:s16], $0x2000  }
0xfe: {  	[sflag:s16] =	ssyncset.done $0x0  }
0xff: {  	s26 =	sadd.s32 $0x1800, s23;
	[sflag:s16] =	ssyncadd.s32 $0xFFFFE000  }
0x100: {  	[hbm4b:s26+s2] =	stream.linear.scatter [tilespmem:s10], [sflag:$0x7], $0x2000, $0x38;
	[tilespmem:$0x8A00] =	vst v63  }
0x101: {  	_ =	swait.ge [sflag:s17], $0x2000  }
0x102: {  	[sflag:s17] =	ssyncset.done $0x0  }
0x103: {  	s28 =	rddreg [dreg:$0xb];
	[sflag:s17] =	ssyncadd.s32 $0xFFFFE000  }
0x104: {  	[tilespmem:s10], [sflag:$0x3] =	stream.indirect.gather [hbm4b:s3+s7], $0x40, s28, s7, $0xb8;
	[tilespmem:$0x8A00] =	vst v63  }
0x105: {  	_ =	swait.ge [sflag:s18], $0x2000  }
0x106: {  	[sflag:s18] =	ssyncset.done $0x0  }
0x107: {  	s29 =	sadd.s32 $0x1C00, s23;
	[sflag:s18] =	ssyncadd.s32 $0xFFFFE000  }
0x108: {  	[hbm4b:s29+s2] =	stream.linear.scatter [tilespmem:s11], [sflag:$0x8], $0x2000, $0x38;
	[tilespmem:$0x8A00] =	vst v63  }
0x109: {  	_ =	swait.ge [sflag:s19], $0x2000  }
0x10a: {  	[sflag:s19] =	ssyncset.done $0x0  }
0x10b: {  	s30 =	rddreg [dreg:$0xc];
	[sflag:s19] =	ssyncadd.s32 $0xFFFFE000  }
0x10c: {  	[tilespmem:s11], [sflag:$0x4] =	stream.indirect.gather [hbm4b:s3+s7], $0x40, s30, s7, $0xb8;
	[tilespmem:$0x8A00] =	vst v63  }
0x10d: {  	_ =	swait.ge [sflag:s12], $0x2000  }
0x10e: {  	[sflag:s12] =	ssyncset.done $0x0  }
0x10f: {  	s31 =	sadd.s32 $0x2000, s23;
	[sflag:s12] =	ssyncadd.s32 $0xFFFFE000  }
0x110: {  	[hbm4b:s31+s2] =	stream.linear.scatter [tilespmem:s8], [sflag:$0x5], $0x2000, $0x38;
	[tilespmem:$0x8A00] =	vst v63  }
0x111: {  	_ =	swait.ge [sflag:s13], $0x2000  }
0x112: {  	[sflag:s13] =	ssyncset.done $0x0  }
0x113: {  	s25 =	rddreg [dreg:$0xd];
	[sflag:s13] =	ssyncadd.s32 $0xFFFFE000  }
0x114: {  	[tilespmem:s8], [sflag:$0x1] =	stream.indirect.gather [hbm4b:s3+s7], $0x40, s25, s7, $0xb8;
	[tilespmem:$0x8A00] =	vst v63  }
0x115: {  	_ =	swait.ge [sflag:s14], $0x2000  }
0x116: {  	[sflag:s14] =	ssyncset.done $0x0  }
0x117: {  	s26 =	sadd.s32 $0x2400, s23;
	[sflag:s14] =	ssyncadd.s32 $0xFFFFE000  }
0x118: {  	[hbm4b:s26+s2] =	stream.linear.scatter [tilespmem:s9], [sflag:$0x6], $0x2000, $0x38;
	[tilespmem:$0x8A00] =	vst v63  }
0x119: {  	_ =	swait.ge [sflag:s15], $0x2000  }
0x11a: {  	[sflag:s15] =	ssyncset.done $0x0  }
0x11b: {  	s28 =	rddreg [dreg:$0xe];
	[sflag:s15] =	ssyncadd.s32 $0xFFFFE000  }
0x11c: {  	[tilespmem:s9], [sflag:$0x2] =	stream.indirect.gather [hbm4b:s3+s7], $0x40, s28, s7, $0xb8;
	[tilespmem:$0x8A00] =	vst v63  }
0x11d: {  	_ =	swait.ge [sflag:s16], $0x2000  }
0x11e: {  	[sflag:s16] =	ssyncset.done $0x0  }
0x11f: {  	s29 =	sadd.s32 $0x2800, s23;
	[sflag:s16] =	ssyncadd.s32 $0xFFFFE000  }
0x120: {  	[hbm4b:s29+s2] =	stream.linear.scatter [tilespmem:s10], [sflag:$0x7], $0x2000, $0x38;
	[tilespmem:$0x8A00] =	vst v63  }
0x121: {  	_ =	swait.ge [sflag:s17], $0x2000  }
0x122: {  	[sflag:s17] =	ssyncset.done $0x0  }
0x123: {  	s30 =	rddreg [dreg:$0xf];
	[sflag:s17] =	ssyncadd.s32 $0xFFFFE000  }
0x124: {  	[tilespmem:s10], [sflag:$0x3] =	stream.indirect.gather [hbm4b:s3+s7], $0x40, s30, s7, $0xb8;
	[tilespmem:$0x8A00] =	vst v63  }
0x125: {  	_ =	swait.ge [sflag:s18], $0x2000  }
0x126: {  	[sflag:s18] =	ssyncset.done $0x0  }
0x127: {  	s31 =	sadd.s32 $0x2C00, s23;
	[sflag:s18] =	ssyncadd.s32 $0xFFFFE000  }
0x128: {  	[hbm4b:s31+s2] =	stream.linear.scatter [tilespmem:s11], [sflag:$0x8], $0x2000, $0x38;
	[tilespmem:$0x8A00] =	vst v63  }
0x129: {  	_ =	swait.ge [sflag:s19], $0x2000  }
0x12a: {  	[sflag:s19] =	ssyncset.done $0x0  }
0x12b: {  	s25 =	rddreg [dreg:$0x10];
	[sflag:s19] =	ssyncadd.s32 $0xFFFFE000  }
0x12c: {  	[tilespmem:s11], [sflag:$0x4] =	stream.indirect.gather [hbm4b:s3+s7], $0x40, s25, s7, $0xb8;
	[tilespmem:$0x8A00] =	vst v63  }
0x12d: {  	_ =	swait.ge [sflag:s12], $0x2000  }
0x12e: {  	[sflag:s12] =	ssyncset.done $0x0  }
0x12f: {  	s26 =	sadd.s32 $0x3000, s23;
	[sflag:s12] =	ssyncadd.s32 $0xFFFFE000  }
0x130: {  	[hbm4b:s26+s2] =	stream.linear.scatter [tilespmem:s8], [sflag:$0x5], $0x2000, $0x38;
	[tilespmem:$0x8A00] =	vst v63  }
0x131: {  	_ =	swait.ge [sflag:s13], $0x2000  }
0x132: {  	[sflag:s13] =	ssyncset.done $0x0  }
0x133: {  	s28 =	rddreg [dreg:$0x11];
	[sflag:s13] =	ssyncadd.s32 $0xFFFFE000  }
0x134: {  	[tilespmem:s8], [sflag:$0x1] =	stream.indirect.gather [hbm4b:s3+s7], $0x40, s28, s7, $0xb8;
	[tilespmem:$0x8A00] =	vst v63  }
0x135: {  	_ =	swait.ge [sflag:s14], $0x2000  }
0x136: {  	[sflag:s14] =	ssyncset.done $0x0  }
0x137: {  	s29 =	sadd.s32 $0x3400, s23;
	[sflag:s14] =	ssyncadd.s32 $0xFFFFE000  }
0x138: {  	[hbm4b:s29+s2] =	stream.linear.scatter [tilespmem:s9], [sflag:$0x6], $0x2000, $0x38;
	[tilespmem:$0x8A00] =	vst v63  }
0x139: {  	_ =	swait.ge [sflag:s15], $0x2000  }
0x13a: {  	[sflag:s15] =	ssyncset.done $0x0  }
0x13b: {  	s30 =	rddreg [dreg:$0x12];
	[sflag:s15] =	ssyncadd.s32 $0xFFFFE000  }
0x13c: {  	[tilespmem:s9], [sflag:$0x2] =	stream.indirect.gather [hbm4b:s3+s7], $0x40, s30, s7, $0xb8;
	[tilespmem:$0x8A00] =	vst v63  }
0x13d: {  	_ =	swait.ge [sflag:s16], $0x2000  }
0x13e: {  	[sflag:s16] =	ssyncset.done $0x0  }
0x13f: {  	s31 =	sadd.s32 $0x3800, s23;
	[sflag:s16] =	ssyncadd.s32 $0xFFFFE000  }
0x140: {  	[hbm4b:s31+s2] =	stream.linear.scatter [tilespmem:s10], [sflag:$0x7], $0x2000, $0x38;
	[tilespmem:$0x8A00] =	vst v63  }
0x141: {  	_ =	swait.ge [sflag:s17], $0x2000  }
0x142: {  	[sflag:s17] =	ssyncset.done $0x0  }
0x143: {  	s25 =	rddreg [dreg:$0x13];
	[sflag:s17] =	ssyncadd.s32 $0xFFFFE000  }
0x144: {  	[tilespmem:s10], [sflag:$0x3] =	stream.indirect.gather [hbm4b:s3+s7], $0x40, s25, s7, $0xb8;
	[tilespmem:$0x8A00] =	vst v63  }
0x145: {  	_ =	swait.ge [sflag:s18], $0x2000  }
0x146: {  	[sflag:s18] =	ssyncset.done $0x0  }
0x147: {  	s26 =	sadd.s32 $0x3C00, s23;
	[sflag:s18] =	ssyncadd.s32 $0xFFFFE000  }
0x148: {  	[hbm4b:s26+s2] =	stream.linear.scatter [tilespmem:s11], [sflag:$0x8], $0x2000, $0x38;
	[tilespmem:$0x8A00] =	vst v63  }
0x149: {  	_ =	swait.ge [sflag:s19], $0x2000  }
0x14a: {  	[sflag:s19] =	ssyncset.done $0x0  }
0x14b: {  	s28 =	rddreg [dreg:$0x14];
	[sflag:s19] =	ssyncadd.s32 $0xFFFFE000  }
0x14c: {  	[tilespmem:s11], [sflag:$0x4] =	stream.indirect.gather [hbm4b:s3+s7], $0x40, s28, s7, $0xb8;
	[tilespmem:$0x8A00] =	vst v63  }
0x14d: {  	_ =	swait.ge [sflag:s12], $0x2000  }
0x14e: {  	[sflag:s12] =	ssyncset.done $0x0  }
0x14f: {  	s29 =	sadd.s32 $0x4000, s23;
	[sflag:s12] =	ssyncadd.s32 $0xFFFFE000  }
0x150: {  	[hbm4b:s29+s2] =	stream.linear.scatter [tilespmem:s8], [sflag:$0x5], $0x2000, $0x38;
	[tilespmem:$0x8A00] =	vst v63  }
0x151: {  	_ =	swait.ge [sflag:s14], $0x2000  }
0x152: {  	[sflag:s14] =	ssyncset.done $0x0  }
0x153: {  	s30 =	sadd.s32 $0x4400, s23;
	[sflag:s14] =	ssyncadd.s32 $0xFFFFE000  }
0x154: {  	[hbm4b:s30+s2] =	stream.linear.scatter [tilespmem:s9], [sflag:$0x6], $0x2000, $0x38;
	[tilespmem:$0x8A00] =	vst v63  }
0x155: {  	_ =	swait.ge [sflag:s16], $0x2000  }
0x156: {  	[sflag:s16] =	ssyncset.done $0x0  }
0x157: {  	s31 =	sadd.s32 $0x4800, s23;
	[sflag:s16] =	ssyncadd.s32 $0xFFFFE000  }
0x158: {  	[hbm4b:s31+s2] =	stream.linear.scatter [tilespmem:s10], [sflag:$0x7], $0x2000, $0x38;
	[tilespmem:$0x8A00] =	vst v63  }
0x159: {  	_ =	swait.ge [sflag:s18], $0x2000  }
0x15a: {  	[sflag:s18] =	ssyncset.done $0x0  }
0x15b: {  	s23 =	sadd.s32 $0x4C00, s23;
	[sflag:s18] =	ssyncadd.s32 $0xFFFFE000  }
0x15c: {  	[hbm4b:s23+s2] =	stream.linear.scatter [tilespmem:s11], [sflag:$0x8], $0x2000, $0x38;
	[tilespmem:$0x8A00] =	vst v63  }
0x15d: {  	_ =	swait.ge [sflag:s13], $0x2000  }
0x15e: {  	[sflag:s13] =	ssyncset.done $0x0  }
0x15f: {  	[sflag:s13] =	ssyncadd.s32 $0xFFFFE000  }
0x160: {  	_ =	swait.ge [sflag:s15], $0x2000  }
0x161: {  	[sflag:s15] =	ssyncset.done $0x0  }
0x162: {  	p0 =	sne.s32 s21, $0x2D000;
	[sflag:s15] =	ssyncadd.s32 $0xFFFFE000  }
.Ltmp0:
0x163: {  	_ =	swait.ge [sflag:s17], $0x2000;
	(pc) =	sbr.rel @p0 .LBB2_2-.Ltmp0, $4  }
0x164: {  	[sflag:s17] =	ssyncset.done $0x0  }
0x165: {  	[sflag:s17] =	ssyncadd.s32 $0xFFFFE000  }
0x166: {  	_ =	swait.ge [sflag:s19], $0x2000  }
0x167: {  	s21 =	sadd.s32 $0x5000, s21;
	[sflag:s19] =	ssyncset.done $0x0  }
0x168: {  	s20 =	sadd.s32 $0x1, s20  }
0x169: {  	p0 =	sne.s32 s20, s4  }
.Ltmp1:
0x16a: {  	_ = 	snop;
	(pc) =	sbr.rel @p0 .LBB2_1-.Ltmp1, $2  }
0x16b: {  	_ =	sdelay $0x2  }
0x16c: {  	[sflag:s19] =	ssyncadd.s32 $0xFFFFE000  }
0x16d: {  	_ =	sfence.sel $0x180000  }
0x16e: {  	[bflag:$0x0] =	sbarrier.arrive $0xFFFF  }
0x16f: {  	p0 =	sne.s32 s1, $0x0;
	_ =	strace $0x90000047  }
0x170: {  	s0 =	sadd.s32 @!p0 $0x100000, s0;
	[bflag:$0x2] =	sbarrier.arrive $0xFFFF  }
0x171: {  	[sflag:s0] =	ssyncadd.tile.s32 @!p0 $0x1;
	_ =	shalt  }
.Lfunc_end2:
_tile_overlayer_lowered:
.L_overlay_start_2:
0x172: {  	(tag) =	ssettag $0x2  }
0x173: {  	s0 =	rddreg [dreg:$0x0];
	s2 =	stileid.u32  }
0x174: {  	s1 =	rddreg [dreg:$0x1];
	p0 =	sne.s32 s2, $0x0  }
0x175: {  	s3 =	rddreg [dreg:$0x2];
	[bflag:$0x3] =	sbarrier.arrive $0xFFFF;
	s2 =	simm.s32 @!p0 $0x1C09  }
0x176: {  	[timem:s3], [sflag:s2] =	dma.local @!p0 [hbm:s0], s1  }
0x177: {  	s0 =	simm.s32 @!p0 $0x9  }
0x178: {  	_ =	swait.ge @!p0 [sflag:s0], s1  }
0x179: {  	s1 =	ssub.s32 @!p0 $0x0, s1;
	[sflag:s0] =	ssyncset.done @!p0 $0x0  }
0x17a: {  	[sflag:s0] =	ssyncadd.s32 @!p0 s1  }
0x17b: {  	[bflag:$0x3] =	sbarrier.arrive $0xFFFF  }
0x17c: {  	_ =	shalt  }

</sc_bundles>
